<compile_context>
chip_gen: v7x
topology: tpu7x:2x2x1
jax: 0.10.2.dev20260603
libtpu: 0.0.44.dev20260713+nightly
codegen_flags: <defaults>
</compile_context>

<pallas_src>
import functools

import jax
import jax.numpy as jnp
from jax import lax
from jax.experimental import pallas as pl
from jax.experimental.pallas import tpu as pltpu
from jax.experimental.pallas import tpu_sc as plsc

NC = 2
NS = 16
NW = NC * NS

ROWS_PER_UNIT = 1
NBUF = 8


def _make_pool_kernel(B, S, D):
    RW = B // NW
    U = RW // ROWS_PER_UNIT
    IPU = ROWS_PER_UNIT * S
    assert IPU <= 128
    ND = D // 16

    mesh = plsc.VectorSubcoreMesh(
        core_axis_name="c", subcore_axis_name="s", num_cores=NC, num_subcores=NS)

    @functools.partial(
        pl.kernel,
        out_type=jax.ShapeDtypeStruct((B, D), jnp.float32),
        mesh=mesh,
        scratch_types=[
            pltpu.VMEM((U, IPU), jnp.int32),
            pltpu.VMEM((NBUF, IPU, D), jnp.float32),
            pltpu.VMEM((RW, D), jnp.float32),
            pltpu.SemaphoreType.DMA((NBUF,)),
        ],
    )
    def pool(x_hbm, table_hbm, out_hbm, idx_v, rows, out_v, sems):
        wid = lax.axis_index("s") * NC + lax.axis_index("c")

        pltpu.sync_copy(x_hbm.at[pl.ds(wid * U, U)], idx_v)

        def start(unit, b):
            pltpu.async_copy(
                table_hbm.at[idx_v.at[unit]], rows.at[b], sems.at[b])

        def wait(b):
            pltpu.make_async_copy(
                table_hbm.at[idx_v.at[0]], rows.at[b], sems.at[b]).wait()

        def accumulate(unit, b):
            buf = rows.at[b]
            for r in range(ROWS_PER_UNIT):
                def body(s, acc):
                    return tuple(
                        acc[d] + buf[r * S + s, pl.ds(d * 16, 16)]
                        for d in range(ND)
                    )
                acc = lax.fori_loop(
                    0, S, body,
                    tuple(jnp.zeros((16,), jnp.float32) for _ in range(ND)),
                )
                row = unit * ROWS_PER_UNIT + r
                for d in range(ND):
                    out_v[row, pl.ds(d * 16, 16)] = acc[d]

        @pl.loop(0, NBUF)
        def _(g):
            start(g, g)

        @pl.loop(0, U - NBUF)
        def _(g):
            b = lax.rem(g, NBUF)
            wait(b)
            accumulate(g, b)
            start(g + NBUF, b)

        @pl.loop(U - NBUF, U)
        def _(g):
            b = lax.rem(g, NBUF)
            wait(b)
            accumulate(g, b)

        pltpu.sync_copy(out_v, out_hbm.at[pl.ds(wid * RW, RW)])

    return pool


def _mlp_block(h_ref, w1_ref, b1_ref, w2_ref, b2_ref, w3_ref, b3_ref, o_ref):
    h = h_ref[...]
    h = jnp.maximum(jnp.dot(h, w1_ref[...], preferred_element_type=jnp.float32)
                    + b1_ref[...], 0.0)
    h = jnp.maximum(jnp.dot(h, w2_ref[...], preferred_element_type=jnp.float32)
                    + b2_ref[...], 0.0)
    h = jnp.maximum(jnp.dot(h, w2_ref[...], preferred_element_type=jnp.float32)
                    + b2_ref[...], 0.0)
    o_ref[...] = (jnp.dot(h, w3_ref[...], preferred_element_type=jnp.float32)
                  + b3_ref[...])


def _mlp(pooled, W1s, b1, W2, b2, W3, b3):
    B, D = pooled.shape
    HID = W2.shape[0]
    ALTS = W3.shape[1]
    BT = 2048
    grid = (B // BT,)
    full = lambda shape: pl.BlockSpec(shape, lambda i: (0, 0))
    return pl.pallas_call(
        _mlp_block,
        grid=grid,
        in_specs=[
            pl.BlockSpec((BT, D), lambda i: (i, 0)),
            full((D, HID)), full((1, HID)),
            full((HID, HID)), full((1, HID)),
            full((HID, ALTS)), full((1, ALTS)),
        ],
        out_specs=pl.BlockSpec((BT, ALTS), lambda i: (i, 0)),
        out_shape=jax.ShapeDtypeStruct((B, ALTS), jnp.float32),
    )(pooled, W1s, b1.reshape(1, HID), W2, b2.reshape(1, HID),
      W3, b3.reshape(1, ALTS))


@jax.jit
def kernel(x, table, W1, b1, W2, b2, W3, b3):
    B, S = x.shape
    V, D = table.shape
    x2 = x.astype(jnp.int32)
    W1s = W1 * (1.0 / S)
    pooled = _make_pool_kernel(B, S, D)(x2, table)
    return _mlp(pooled, W1s, b1, W2, b2, W3, b3)

# --- scband reference (transcript-rebuilt; emitter-appended) ---
"""Pipeline reference for scband-wec-25091198943916 (READ-ONLY COPY).

The authoritative reference and input builder live on the scoring server;
editing this copy changes nothing except your own understanding.
"""

import jax, jax.numpy as jnp
import numpy as np

VOCAB = 100000
DIM = 128
BATCH = 4096
SEQ = 50
HID = 128
ALTS = 64

def setup_inputs(seed: int = 0) -> dict:
    key = jax.random.key(seed)
    ks = jax.random.split(key, 9)
    x = jax.random.randint(ks[0], (BATCH, SEQ), 0, VOCAB, dtype=jnp.int64 if jax.config.jax_enable_x64 else jnp.int32)
    table = jax.random.normal(ks[1], (VOCAB, DIM), dtype=jnp.float32) * 0.02
    W1 = jax.random.normal(ks[2], (DIM, HID), dtype=jnp.float32) * (1.0 / np.sqrt(DIM))
    b1 = jnp.zeros((HID,), dtype=jnp.float32)
    W2 = jax.random.normal(ks[3], (HID, HID), dtype=jnp.float32) * (1.0 / np.sqrt(HID))
    b2 = jnp.zeros((HID,), dtype=jnp.float32)
    W3 = jax.random.normal(ks[4], (HID, ALTS), dtype=jnp.float32) * (1.0 / np.sqrt(HID))
    b3 = jnp.zeros((ALTS,), dtype=jnp.float32)
    return {"x": x, "table": table, "W1": W1, "b1": b1, "W2": W2, "b2": b2, "W3": W3, "b3": b3}

def reference(x, table, W1, b1, W2, b2, W3, b3):
    # embedding lookup: [B, S, D]
    emb = jnp.take(table, x, axis=0)
    # mean over words
    h = emb.mean(axis=1)
    # MLP (note: linear_hidden2 is applied twice with the SAME weights, matching the torch code)
    h = jax.nn.relu(h @ W1 + b1)
    h = jax.nn.relu(h @ W2 + b2)
    h = jax.nn.relu(h @ W2 + b2)
    out = h @ W3 + b3
    return out

if __name__ == "__main__":
    import jax
    _d = setup_inputs()
    print(jax.jit(kernel)(*tuple(_d.values())))

</pallas_src>

<mosaic_0001>
#map = affine_map<(d0, d1) -> (0, 0)>
module attributes {stable_mosaic.version = 14 : i64} {
  func.func @pool(%arg0: i32, %arg1: i32, %arg2: memref<4096x50xi32, #tpu.memory_space<hbm>>, %arg3: memref<100000x128xf32, #tpu.memory_space<hbm>>, %arg4: memref<4096x128xf32, #tpu.memory_space<hbm>>, %arg5: memref<128x50xi32, #tpu.memory_space<vmem>>, %arg6: memref<8x50x128xf32, #tpu.memory_space<vmem>>, %arg7: memref<128x128xf32, #tpu.memory_space<vmem>>, %arg8: memref<8x!tpu.dma_semaphore, #tpu.memory_space<semaphore_mem>>) attributes {dimension_semantics = [#tpu.dimension_semantics<core_parallel>, #tpu.dimension_semantics<subcore_parallel>], iteration_bounds = array<i64: 2, 16>, scalar_prefetch = 0 : i64, scratch_operands = 4 : i64, tpu.core_type = #tpu.core_type<sc_vector_subcore>, window_params = [{transform_indices = #map}, {transform_indices = #map}, {transform_indices = #map}]} {
    %mul3A = arith.constant 2 : i32
    %mul3A_0 = arith.muli %arg1, %mul3A : i32
    %add3A = arith.addi %mul3A_0, %arg0 : i32
    %mul3A_1 = arith.constant 128 : i32
    %mul3A_2 = arith.muli %add3A, %mul3A_1 : i32
    "tpu.region"() ({
      %run_scoped3A = tpu.sem_alloc : memref<!tpu.dma_semaphore, #tpu.memory_space<semaphore_mem>>
      %dma_start3A = arith.constant 0 : i32
      %dma_start3A_19 = tpu.memref_slice %arg2[%mul3A_2, %dma_start3A] : memref<4096x50xi32, #tpu.memory_space<hbm>> -> memref<128x50xi32, #tpu.memory_space<hbm>>
      %dma_start3A_20 = arith.constant 0 : i32
      %dma_start3A_21 = tpu.memref_slice %arg2[%mul3A_2, %dma_start3A_20] : memref<4096x50xi32, #tpu.memory_space<hbm>> -> memref<128x50xi32, #tpu.memory_space<hbm>>
      tpu.enqueue_dma source(%dma_start3A_21 : memref<128x50xi32, #tpu.memory_space<hbm>>) target(%arg5 : memref<128x50xi32, #tpu.memory_space<vmem>>) target_semaphore(%run_scoped3A : memref<!tpu.dma_semaphore, #tpu.memory_space<semaphore_mem>>)
      %dma_wait3A = arith.constant 0 : i32
      %dma_wait3A_22 = tpu.memref_slice %arg2[%mul3A_2, %dma_wait3A] : memref<4096x50xi32, #tpu.memory_space<hbm>> -> memref<128x50xi32, #tpu.memory_space<hbm>>
      %dma_wait3A_23 = arith.constant 0 : i32
      %dma_wait3A_24 = tpu.memref_slice %arg2[%mul3A_2, %dma_wait3A_23] : memref<4096x50xi32, #tpu.memory_space<hbm>> -> memref<128x50xi32, #tpu.memory_space<hbm>>
      tpu.wait_dma2 semaphore(%run_scoped3A : memref<!tpu.dma_semaphore, #tpu.memory_space<semaphore_mem>>) src(%dma_wait3A_24 : memref<128x50xi32, #tpu.memory_space<hbm>>) dst(%arg5 : memref<128x50xi32, #tpu.memory_space<vmem>>)
      tpu.yield
    }) : () -> ()
    %scan3A = arith.constant 0 : i32
    %scan3A_3 = arith.constant 8 : i32
    %scan3A_4 = arith.addi %scan3A, %scan3A_3 : i32
    %scan3A_5 = arith.constant 1 : i32
    scf.for %scan3A_19 = %scan3A to %scan3A_4 step %scan3A_5  : i32 {
      %mul3A_20 = arith.constant 1 : i32
      %mul3A_21 = arith.muli %scan3A_19, %mul3A_20 : i32
      %add3A_22 = arith.constant 0 : i32
      %add3A_23 = arith.addi %add3A_22, %mul3A_21 : i32
      %dma_start3A = arith.constant 0 : i32
      %dma_start3A_24 = arith.constant 0 : i32
      %dma_start3A_25 = tpu.memref_slice %arg6[%add3A_23, %dma_start3A, %dma_start3A_24] : memref<8x50x128xf32, #tpu.memory_space<vmem>> -> memref<1x50x128xf32, #tpu.memory_space<vmem>>
      %dma_start3A_26 = tpu.memref_squeeze %dma_start3A_25 : memref<1x50x128xf32, #tpu.memory_space<vmem>> -> memref<50x128xf32, #tpu.memory_space<vmem>>
      %dma_start3A_27 = arith.constant 0 : i32
      %dma_start3A_28 = tpu.memref_slice %arg5[%add3A_23, %dma_start3A_27] : memref<128x50xi32, #tpu.memory_space<vmem>> -> memref<1x50xi32, #tpu.memory_space<vmem>>
      %dma_start3A_29 = tpu.memref_squeeze %dma_start3A_28 : memref<1x50xi32, #tpu.memory_space<vmem>> -> memref<50xi32, #tpu.memory_space<vmem>>
      %dma_start3A_30 = arith.constant 0 : i32
      %dma_start3A_31 = arith.constant 0 : i32
      %dma_start3A_32 = tpu.memref_slice %arg3[%dma_start3A_30, %dma_start3A_31] : memref<100000x128xf32, #tpu.memory_space<hbm>> -> memref<100000x128xf32, #tpu.memory_space<hbm>>
      %dma_start3A_33 = tpu.memref_slice %arg8[%add3A_23] : memref<8x!tpu.dma_semaphore, #tpu.memory_space<semaphore_mem>> -> memref<1x!tpu.dma_semaphore, #tpu.memory_space<semaphore_mem>>
      %dma_start3A_34 = tpu.memref_squeeze %dma_start3A_33 : memref<1x!tpu.dma_semaphore, #tpu.memory_space<semaphore_mem>> -> memref<!tpu.dma_semaphore, #tpu.memory_space<semaphore_mem>>
      tpu.enqueue_indirect_dma source(%dma_start3A_32 : memref<100000x128xf32, #tpu.memory_space<hbm>>) target(%dma_start3A_26 : memref<50x128xf32, #tpu.memory_space<vmem>>) offsets(%dma_start3A_29 : memref<50xi32, #tpu.memory_space<vmem>>) semaphore(%dma_start3A_34 : memref<!tpu.dma_semaphore, #tpu.memory_space<semaphore_mem>>)
    }
    %scan3A_6 = arith.constant 8 : i32
    %scan3A_7 = arith.constant 0 : i32
    %scan3A_8 = arith.constant 120 : i32
    %scan3A_9 = arith.addi %scan3A_7, %scan3A_8 : i32
    %scan3A_10 = arith.constant 1 : i32
    scf.for %scan3A_19 = %scan3A_7 to %scan3A_9 step %scan3A_10  : i32 {
      %mul3A_20 = arith.constant 1 : i32
      %mul3A_21 = arith.muli %scan3A_19, %mul3A_20 : i32
      %add3A_22 = arith.constant 0 : i32
      %add3A_23 = arith.addi %add3A_22, %mul3A_21 : i32
      %rem3A = arith.constant 8 : i32
      %rem3A_24 = arith.remsi %add3A_23, %rem3A : i32
      %dma_wait3A = arith.constant 0 : i32
      %dma_wait3A_25 = arith.constant 0 : i32
      %dma_wait3A_26 = arith.constant 0 : i32
      %dma_wait3A_27 = tpu.memref_slice %arg6[%rem3A_24, %dma_wait3A_25, %dma_wait3A_26] : memref<8x50x128xf32, #tpu.memory_space<vmem>> -> memref<1x50x128xf32, #tpu.memory_space<vmem>>
      %dma_wait3A_28 = tpu.memref_squeeze %dma_wait3A_27 : memref<1x50x128xf32, #tpu.memory_space<vmem>> -> memref<50x128xf32, #tpu.memory_space<vmem>>
      %dma_wait3A_29 = arith.constant 0 : i32
      %dma_wait3A_30 = tpu.memref_slice %arg5[%dma_wait3A, %dma_wait3A_29] : memref<128x50xi32, #tpu.memory_space<vmem>> -> memref<1x50xi32, #tpu.memory_space<vmem>>
      %dma_wait3A_31 = tpu.memref_squeeze %dma_wait3A_30 : memref<1x50xi32, #tpu.memory_space<vmem>> -> memref<50xi32, #tpu.memory_space<vmem>>
      %dma_wait3A_32 = arith.constant 0 : i32
      %dma_wait3A_33 = arith.constant 0 : i32
      %dma_wait3A_34 = tpu.memref_slice %arg3[%dma_wait3A_32, %dma_wait3A_33] : memref<100000x128xf32, #tpu.memory_space<hbm>> -> memref<100000x128xf32, #tpu.memory_space<hbm>>
      %dma_wait3A_35 = tpu.memref_slice %arg8[%rem3A_24] : memref<8x!tpu.dma_semaphore, #tpu.memory_space<semaphore_mem>> -> memref<1x!tpu.dma_semaphore, #tpu.memory_space<semaphore_mem>>
      %dma_wait3A_36 = tpu.memref_squeeze %dma_wait3A_35 : memref<1x!tpu.dma_semaphore, #tpu.memory_space<semaphore_mem>> -> memref<!tpu.dma_semaphore, #tpu.memory_space<semaphore_mem>>
      tpu.wait_indirect_dma semaphore(%dma_wait3A_36 : memref<!tpu.dma_semaphore, #tpu.memory_space<semaphore_mem>>) src(%dma_wait3A_34 : memref<100000x128xf32, #tpu.memory_space<hbm>>) dst(%dma_wait3A_28 : memref<50x128xf32, #tpu.memory_space<vmem>>)
      %broadcast_in_dim3A = arith.constant 0.000000e+00 : f32
      %broadcast_in_dim3A_37 = vector.broadcast %broadcast_in_dim3A : f32 to vector<16xf32>
      %broadcast_in_dim3A_38 = arith.constant 0.000000e+00 : f32
      %broadcast_in_dim3A_39 = vector.broadcast %broadcast_in_dim3A_38 : f32 to vector<16xf32>
      %broadcast_in_dim3A_40 = arith.constant 0.000000e+00 : f32
      %broadcast_in_dim3A_41 = vector.broadcast %broadcast_in_dim3A_40 : f32 to vector<16xf32>
      %broadcast_in_dim3A_42 = arith.constant 0.000000e+00 : f32
      %broadcast_in_dim3A_43 = vector.broadcast %broadcast_in_dim3A_42 : f32 to vector<16xf32>
      %broadcast_in_dim3A_44 = arith.constant 0.000000e+00 : f32
      %broadcast_in_dim3A_45 = vector.broadcast %broadcast_in_dim3A_44 : f32 to vector<16xf32>
      %broadcast_in_dim3A_46 = arith.constant 0.000000e+00 : f32
      %broadcast_in_dim3A_47 = vector.broadcast %broadcast_in_dim3A_46 : f32 to vector<16xf32>
      %broadcast_in_dim3A_48 = arith.constant 0.000000e+00 : f32
      %broadcast_in_dim3A_49 = vector.broadcast %broadcast_in_dim3A_48 : f32 to vector<16xf32>
      %broadcast_in_dim3A_50 = arith.constant 0.000000e+00 : f32
      %broadcast_in_dim3A_51 = vector.broadcast %broadcast_in_dim3A_50 : f32 to vector<16xf32>
      %scan3A_52 = arith.constant 0 : i32
      %scan3A_53 = arith.constant 50 : i32
      %scan3A_54 = arith.addi %scan3A_52, %scan3A_53 : i32
      %scan3A_55 = arith.constant 1 : i32
      %scan3A_56:8 = scf.for %scan3A_114 = %scan3A_52 to %scan3A_54 step %scan3A_55 iter_args(%scan3A_115 = %broadcast_in_dim3A_37, %scan3A_116 = %broadcast_in_dim3A_39, %scan3A_117 = %broadcast_in_dim3A_41, %scan3A_118 = %broadcast_in_dim3A_43, %scan3A_119 = %broadcast_in_dim3A_45, %scan3A_120 = %broadcast_in_dim3A_47, %scan3A_121 = %broadcast_in_dim3A_49, %scan3A_122 = %broadcast_in_dim3A_51) -> (vector<16xf32>, vector<16xf32>, vector<16xf32>, vector<16xf32>, vector<16xf32>, vector<16xf32>, vector<16xf32>, vector<16xf32>)  : i32 {
        %add3A_123 = arith.constant 0 : i32
        %add3A_124 = arith.addi %add3A_123, %scan3A_114 : i32
        %get3A = arith.constant 0 : i32
        %get3A_125 = arith.constant 0 : i32
        %get3A_126 = tpu.memref_slice %arg6[%rem3A_24, %get3A, %get3A_125] : memref<8x50x128xf32, #tpu.memory_space<vmem>> -> memref<1x50x128xf32, #tpu.memory_space<vmem>>
        %get3A_127 = tpu.memref_squeeze %get3A_126 : memref<1x50x128xf32, #tpu.memory_space<vmem>> -> memref<50x128xf32, #tpu.memory_space<vmem>>
        %get3A_128 = arith.index_cast %add3A_124 : i32 to index
        %get3A_129 = arith.constant 0 : index
        %get3A_130 = tpu.vector_load %get3A_127[%get3A_128, %get3A_129] {strides = array<i32>} : memref<50x128xf32, #tpu.memory_space<vmem>>, vector<1x16xf32>,
        %get3A_131 = vector.shape_cast %get3A_130 : vector<1x16xf32> to vector<16xf32>
        %add3A_132 = arith.addf %scan3A_115, %get3A_131 : vector<16xf32>
        %add3A_133 = arith.constant 0 : i32
        %add3A_134 = arith.addi %add3A_133, %scan3A_114 : i32
        %get3A_135 = arith.constant 0 : i32
        %get3A_136 = arith.constant 0 : i32
        %get3A_137 = tpu.memref_slice %arg6[%rem3A_24, %get3A_135, %get3A_136] : memref<8x50x128xf32, #tpu.memory_space<vmem>> -> memref<1x50x128xf32, #tpu.memory_space<vmem>>
        %get3A_138 = tpu.memref_squeeze %get3A_137 : memref<1x50x128xf32, #tpu.memory_space<vmem>> -> memref<50x128xf32, #tpu.memory_space<vmem>>
        %get3A_139 = arith.index_cast %add3A_134 : i32 to index
        %get3A_140 = arith.constant 16 : index
        %get3A_141 = tpu.vector_load %get3A_138[%get3A_139, %get3A_140] {strides = array<i32>} : memref<50x128xf32, #tpu.memory_space<vmem>>, vector<1x16xf32>,
        %get3A_142 = vector.shape_cast %get3A_141 : vector<1x16xf32> to vector<16xf32>
        %add3A_143 = arith.addf %scan3A_116, %get3A_142 : vector<16xf32>
        %add3A_144 = arith.constant 0 : i32
        %add3A_145 = arith.addi %add3A_144, %scan3A_114 : i32
        %get3A_146 = arith.constant 0 : i32
        %get3A_147 = arith.constant 0 : i32
        %get3A_148 = tpu.memref_slice %arg6[%rem3A_24, %get3A_146, %get3A_147] : memref<8x50x128xf32, #tpu.memory_space<vmem>> -> memref<1x50x128xf32, #tpu.memory_space<vmem>>
        %get3A_149 = tpu.memref_squeeze %get3A_148 : memref<1x50x128xf32, #tpu.memory_space<vmem>> -> memref<50x128xf32, #tpu.memory_space<vmem>>
        %get3A_150 = arith.index_cast %add3A_145 : i32 to index
        %get3A_151 = arith.constant 32 : index
        %get3A_152 = tpu.vector_load %get3A_149[%get3A_150, %get3A_151] {strides = array<i32>} : memref<50x128xf32, #tpu.memory_space<vmem>>, vector<1x16xf32>,
        %get3A_153 = vector.shape_cast %get3A_152 : vector<1x16xf32> to vector<16xf32>
        %add3A_154 = arith.addf %scan3A_117, %get3A_153 : vector<16xf32>
        %add3A_155 = arith.constant 0 : i32
        %add3A_156 = arith.addi %add3A_155, %scan3A_114 : i32
        %get3A_157 = arith.constant 0 : i32
        %get3A_158 = arith.constant 0 : i32
        %get3A_159 = tpu.memref_slice %arg6[%rem3A_24, %get3A_157, %get3A_158] : memref<8x50x128xf32, #tpu.memory_space<vmem>> -> memref<1x50x128xf32, #tpu.memory_space<vmem>>
        %get3A_160 = tpu.memref_squeeze %get3A_159 : memref<1x50x128xf32, #tpu.memory_space<vmem>> -> memref<50x128xf32, #tpu.memory_space<vmem>>
        %get3A_161 = arith.index_cast %add3A_156 : i32 to index
        %get3A_162 = arith.constant 48 : index
        %get3A_163 = tpu.vector_load %get3A_160[%get3A_161, %get3A_162] {strides = array<i32>} : memref<50x128xf32, #tpu.memory_space<vmem>>, vector<1x16xf32>,
        %get3A_164 = vector.shape_cast %get3A_163 : vector<1x16xf32> to vector<16xf32>
        %add3A_165 = arith.addf %scan3A_118, %get3A_164 : vector<16xf32>
        %add3A_166 = arith.constant 0 : i32
        %add3A_167 = arith.addi %add3A_166, %scan3A_114 : i32
        %get3A_168 = arith.constant 0 : i32
        %get3A_169 = arith.constant 0 : i32
        %get3A_170 = tpu.memref_slice %arg6[%rem3A_24, %get3A_168, %get3A_169] : memref<8x50x128xf32, #tpu.memory_space<vmem>> -> memref<1x50x128xf32, #tpu.memory_space<vmem>>
        %get3A_171 = tpu.memref_squeeze %get3A_170 : memref<1x50x128xf32, #tpu.memory_space<vmem>> -> memref<50x128xf32, #tpu.memory_space<vmem>>
        %get3A_172 = arith.index_cast %add3A_167 : i32 to index
        %get3A_173 = arith.constant 64 : index
        %get3A_174 = tpu.vector_load %get3A_171[%get3A_172, %get3A_173] {strides = array<i32>} : memref<50x128xf32, #tpu.memory_space<vmem>>, vector<1x16xf32>,
        %get3A_175 = vector.shape_cast %get3A_174 : vector<1x16xf32> to vector<16xf32>
        %add3A_176 = arith.addf %scan3A_119, %get3A_175 : vector<16xf32>
        %add3A_177 = arith.constant 0 : i32
        %add3A_178 = arith.addi %add3A_177, %scan3A_114 : i32
        %get3A_179 = arith.constant 0 : i32
        %get3A_180 = arith.constant 0 : i32
        %get3A_181 = tpu.memref_slice %arg6[%rem3A_24, %get3A_179, %get3A_180] : memref<8x50x128xf32, #tpu.memory_space<vmem>> -> memref<1x50x128xf32, #tpu.memory_space<vmem>>
        %get3A_182 = tpu.memref_squeeze %get3A_181 : memref<1x50x128xf32, #tpu.memory_space<vmem>> -> memref<50x128xf32, #tpu.memory_space<vmem>>
        %get3A_183 = arith.index_cast %add3A_178 : i32 to index
        %get3A_184 = arith.constant 80 : index
        %get3A_185 = tpu.vector_load %get3A_182[%get3A_183, %get3A_184] {strides = array<i32>} : memref<50x128xf32, #tpu.memory_space<vmem>>, vector<1x16xf32>,
        %get3A_186 = vector.shape_cast %get3A_185 : vector<1x16xf32> to vector<16xf32>
        %add3A_187 = arith.addf %scan3A_120, %get3A_186 : vector<16xf32>
        %add3A_188 = arith.constant 0 : i32
        %add3A_189 = arith.addi %add3A_188, %scan3A_114 : i32
        %get3A_190 = arith.constant 0 : i32
        %get3A_191 = arith.constant 0 : i32
        %get3A_192 = tpu.memref_slice %arg6[%rem3A_24, %get3A_190, %get3A_191] : memref<8x50x128xf32, #tpu.memory_space<vmem>> -> memref<1x50x128xf32, #tpu.memory_space<vmem>>
        %get3A_193 = tpu.memref_squeeze %get3A_192 : memref<1x50x128xf32, #tpu.memory_space<vmem>> -> memref<50x128xf32, #tpu.memory_space<vmem>>
        %get3A_194 = arith.index_cast %add3A_189 : i32 to index
        %get3A_195 = arith.constant 96 : index
        %get3A_196 = tpu.vector_load %get3A_193[%get3A_194, %get3A_195] {strides = array<i32>} : memref<50x128xf32, #tpu.memory_space<vmem>>, vector<1x16xf32>,
        %get3A_197 = vector.shape_cast %get3A_196 : vector<1x16xf32> to vector<16xf32>
        %add3A_198 = arith.addf %scan3A_121, %get3A_197 : vector<16xf32>
        %add3A_199 = arith.constant 0 : i32
        %add3A_200 = arith.addi %add3A_199, %scan3A_114 : i32
        %get3A_201 = arith.constant 0 : i32
        %get3A_202 = arith.constant 0 : i32
        %get3A_203 = tpu.memref_slice %arg6[%rem3A_24, %get3A_201, %get3A_202] : memref<8x50x128xf32, #tpu.memory_space<vmem>> -> memref<1x50x128xf32, #tpu.memory_space<vmem>>
        %get3A_204 = tpu.memref_squeeze %get3A_203 : memref<1x50x128xf32, #tpu.memory_space<vmem>> -> memref<50x128xf32, #tpu.memory_space<vmem>>
        %get3A_205 = arith.index_cast %add3A_200 : i32 to index
        %get3A_206 = arith.constant 112 : index
        %get3A_207 = tpu.vector_load %get3A_204[%get3A_205, %get3A_206] {strides = array<i32>} : memref<50x128xf32, #tpu.memory_space<vmem>>, vector<1x16xf32>,
        %get3A_208 = vector.shape_cast %get3A_207 : vector<1x16xf32> to vector<16xf32>
        %add3A_209 = arith.addf %scan3A_122, %get3A_208 : vector<16xf32>
        scf.yield %add3A_132, %add3A_143, %add3A_154, %add3A_165, %add3A_176, %add3A_187, %add3A_198, %add3A_209 : vector<16xf32>, vector<16xf32>, vector<16xf32>, vector<16xf32>, vector<16xf32>, vector<16xf32>, vector<16xf32>, vector<16xf32>
      }
      %scan3A_57 = arith.constant 50 : i32
      %mul3A_58 = arith.constant 1 : i32
      %mul3A_59 = arith.muli %add3A_23, %mul3A_58 : i32
      %add3A_60 = arith.constant 0 : i32
      %add3A_61 = arith.addi %mul3A_59, %add3A_60 : i32
      %swap3A = arith.index_cast %add3A_61 : i32 to index
      %swap3A_62 = arith.constant 0 : index
      %swap3A_63 = tpu.vector_load %arg7[%swap3A, %swap3A_62] {strides = array<i32>} : memref<128x128xf32, #tpu.memory_space<vmem>>, vector<1x16xf32>,
      %swap3A_64 = vector.shape_cast %swap3A_63 : vector<1x16xf32> to vector<16xf32>
      %swap3A_65 = vector.shape_cast %scan3A_56#0 : vector<16xf32> to vector<1x16xf32>
      tpu.vector_store %arg7[%swap3A, %swap3A_62], %swap3A_65 {strides = array<i32>} : memref<128x128xf32, #tpu.memory_space<vmem>>, vector<1x16xf32>,
      %swap3A_66 = arith.index_cast %add3A_61 : i32 to index
      %swap3A_67 = arith.constant 16 : index
      %swap3A_68 = tpu.vector_load %arg7[%swap3A_66, %swap3A_67] {strides = array<i32>} : memref<128x128xf32, #tpu.memory_space<vmem>>, vector<1x16xf32>,
      %swap3A_69 = vector.shape_cast %swap3A_68 : vector<1x16xf32> to vector<16xf32>
      %swap3A_70 = vector.shape_cast %scan3A_56#1 : vector<16xf32> to vector<1x16xf32>
      tpu.vector_store %arg7[%swap3A_66, %swap3A_67], %swap3A_70 {strides = array<i32>} : memref<128x128xf32, #tpu.memory_space<vmem>>, vector<1x16xf32>,
      %swap3A_71 = arith.index_cast %add3A_61 : i32 to index
      %swap3A_72 = arith.constant 32 : index
      %swap3A_73 = tpu.vector_load %arg7[%swap3A_71, %swap3A_72] {strides = array<i32>} : memref<128x128xf32, #tpu.memory_space<vmem>>, vector<1x16xf32>,
      %swap3A_74 = vector.shape_cast %swap3A_73 : vector<1x16xf32> to vector<16xf32>
      %swap3A_75 = vector.shape_cast %scan3A_56#2 : vector<16xf32> to vector<1x16xf32>
      tpu.vector_store %arg7[%swap3A_71, %swap3A_72], %swap3A_75 {strides = array<i32>} : memref<128x128xf32, #tpu.memory_space<vmem>>, vector<1x16xf32>,
      %swap3A_76 = arith.index_cast %add3A_61 : i32 to index
      %swap3A_77 = arith.constant 48 : index
      %swap3A_78 = tpu.vector_load %arg7[%swap3A_76, %swap3A_77] {strides = array<i32>} : memref<128x128xf32, #tpu.memory_space<vmem>>, vector<1x16xf32>,
      %swap3A_79 = vector.shape_cast %swap3A_78 : vector<1x16xf32> to vector<16xf32>
      %swap3A_80 = vector.shape_cast %scan3A_56#3 : vector<16xf32> to vector<1x16xf32>
      tpu.vector_store %arg7[%swap3A_76, %swap3A_77], %swap3A_80 {strides = array<i32>} : memref<128x128xf32, #tpu.memory_space<vmem>>, vector<1x16xf32>,
      %swap3A_81 = arith.index_cast %add3A_61 : i32 to index
      %swap3A_82 = arith.constant 64 : index
      %swap3A_83 = tpu.vector_load %arg7[%swap3A_81, %swap3A_82] {strides = array<i32>} : memref<128x128xf32, #tpu.memory_space<vmem>>, vector<1x16xf32>,
      %swap3A_84 = vector.shape_cast %swap3A_83 : vector<1x16xf32> to vector<16xf32>
      %swap3A_85 = vector.shape_cast %scan3A_56#4 : vector<16xf32> to vector<1x16xf32>
      tpu.vector_store %arg7[%swap3A_81, %swap3A_82], %swap3A_85 {strides = array<i32>} : memref<128x128xf32, #tpu.memory_space<vmem>>, vector<1x16xf32>,
      %swap3A_86 = arith.index_cast %add3A_61 : i32 to index
      %swap3A_87 = arith.constant 80 : index
      %swap3A_88 = tpu.vector_load %arg7[%swap3A_86, %swap3A_87] {strides = array<i32>} : memref<128x128xf32, #tpu.memory_space<vmem>>, vector<1x16xf32>,
      %swap3A_89 = vector.shape_cast %swap3A_88 : vector<1x16xf32> to vector<16xf32>
      %swap3A_90 = vector.shape_cast %scan3A_56#5 : vector<16xf32> to vector<1x16xf32>
      tpu.vector_store %arg7[%swap3A_86, %swap3A_87], %swap3A_90 {strides = array<i32>} : memref<128x128xf32, #tpu.memory_space<vmem>>, vector<1x16xf32>,
      %swap3A_91 = arith.index_cast %add3A_61 : i32 to index
      %swap3A_92 = arith.constant 96 : index
      %swap3A_93 = tpu.vector_load %arg7[%swap3A_91, %swap3A_92] {strides = array<i32>} : memref<128x128xf32, #tpu.memory_space<vmem>>, vector<1x16xf32>,
      %swap3A_94 = vector.shape_cast %swap3A_93 : vector<1x16xf32> to vector<16xf32>
      %swap3A_95 = vector.shape_cast %scan3A_56#6 : vector<16xf32> to vector<1x16xf32>
      tpu.vector_store %arg7[%swap3A_91, %swap3A_92], %swap3A_95 {strides = array<i32>} : memref<128x128xf32, #tpu.memory_space<vmem>>, vector<1x16xf32>,
      %swap3A_96 = arith.index_cast %add3A_61 : i32 to index
      %swap3A_97 = arith.constant 112 : index
      %swap3A_98 = tpu.vector_load %arg7[%swap3A_96, %swap3A_97] {strides = array<i32>} : memref<128x128xf32, #tpu.memory_space<vmem>>, vector<1x16xf32>,
      %swap3A_99 = vector.shape_cast %swap3A_98 : vector<1x16xf32> to vector<16xf32>
      %swap3A_100 = vector.shape_cast %scan3A_56#7 : vector<16xf32> to vector<1x16xf32>
      tpu.vector_store %arg7[%swap3A_96, %swap3A_97], %swap3A_100 {strides = array<i32>} : memref<128x128xf32, #tpu.memory_space<vmem>>, vector<1x16xf32>,
      %add3A_101 = arith.constant 8 : i32
      %add3A_102 = arith.addi %add3A_23, %add3A_101 : i32
      %dma_start3A = arith.constant 0 : i32
      %dma_start3A_103 = arith.constant 0 : i32
      %dma_start3A_104 = tpu.memref_slice %arg6[%rem3A_24, %dma_start3A, %dma_start3A_103] : memref<8x50x128xf32, #tpu.memory_space<vmem>> -> memref<1x50x128xf32, #tpu.memory_space<vmem>>
      %dma_start3A_105 = tpu.memref_squeeze %dma_start3A_104 : memref<1x50x128xf32, #tpu.memory_space<vmem>> -> memref<50x128xf32, #tpu.memory_space<vmem>>
      %dma_start3A_106 = arith.constant 0 : i32
      %dma_start3A_107 = tpu.memref_slice %arg5[%add3A_102, %dma_start3A_106] : memref<128x50xi32, #tpu.memory_space<vmem>> -> memref<1x50xi32, #tpu.memory_space<vmem>>
      %dma_start3A_108 = tpu.memref_squeeze %dma_start3A_107 : memref<1x50xi32, #tpu.memory_space<vmem>> -> memref<50xi32, #tpu.memory_space<vmem>>
      %dma_start3A_109 = arith.constant 0 : i32
      %dma_start3A_110 = arith.constant 0 : i32
      %dma_start3A_111 = tpu.memref_slice %arg3[%dma_start3A_109, %dma_start3A_110] : memref<100000x128xf32, #tpu.memory_space<hbm>> -> memref<100000x128xf32, #tpu.memory_space<hbm>>
      %dma_start3A_112 = tpu.memref_slice %arg8[%rem3A_24] : memref<8x!tpu.dma_semaphore, #tpu.memory_space<semaphore_mem>> -> memref<1x!tpu.dma_semaphore, #tpu.memory_space<semaphore_mem>>
      %dma_start3A_113 = tpu.memref_squeeze %dma_start3A_112 : memref<1x!tpu.dma_semaphore, #tpu.memory_space<semaphore_mem>> -> memref<!tpu.dma_semaphore, #tpu.memory_space<semaphore_mem>>
      tpu.enqueue_indirect_dma source(%dma_start3A_111 : memref<100000x128xf32, #tpu.memory_space<hbm>>) target(%dma_start3A_105 : memref<50x128xf32, #tpu.memory_space<vmem>>) offsets(%dma_start3A_108 : memref<50xi32, #tpu.memory_space<vmem>>) semaphore(%dma_start3A_113 : memref<!tpu.dma_semaphore, #tpu.memory_space<semaphore_mem>>)
    }
    %scan3A_11 = arith.constant 120 : i32
    %scan3A_12 = arith.constant 0 : i32
    %scan3A_13 = arith.constant 8 : i32
    %scan3A_14 = arith.addi %scan3A_12, %scan3A_13 : i32
    %scan3A_15 = arith.constant 1 : i32
    scf.for %scan3A_19 = %scan3A_12 to %scan3A_14 step %scan3A_15  : i32 {
      %mul3A_20 = arith.constant 1 : i32
      %mul3A_21 = arith.muli %scan3A_19, %mul3A_20 : i32
      %add3A_22 = arith.constant 120 : i32
      %add3A_23 = arith.addi %add3A_22, %mul3A_21 : i32
      %rem3A = arith.constant 8 : i32
      %rem3A_24 = arith.remsi %add3A_23, %rem3A : i32
      %dma_wait3A = arith.constant 0 : i32
      %dma_wait3A_25 = arith.constant 0 : i32
      %dma_wait3A_26 = arith.constant 0 : i32
      %dma_wait3A_27 = tpu.memref_slice %arg6[%rem3A_24, %dma_wait3A_25, %dma_wait3A_26] : memref<8x50x128xf32, #tpu.memory_space<vmem>> -> memref<1x50x128xf32, #tpu.memory_space<vmem>>
      %dma_wait3A_28 = tpu.memref_squeeze %dma_wait3A_27 : memref<1x50x128xf32, #tpu.memory_space<vmem>> -> memref<50x128xf32, #tpu.memory_space<vmem>>
      %dma_wait3A_29 = arith.constant 0 : i32
      %dma_wait3A_30 = tpu.memref_slice %arg5[%dma_wait3A, %dma_wait3A_29] : memref<128x50xi32, #tpu.memory_space<vmem>> -> memref<1x50xi32, #tpu.memory_space<vmem>>
      %dma_wait3A_31 = tpu.memref_squeeze %dma_wait3A_30 : memref<1x50xi32, #tpu.memory_space<vmem>> -> memref<50xi32, #tpu.memory_space<vmem>>
      %dma_wait3A_32 = arith.constant 0 : i32
      %dma_wait3A_33 = arith.constant 0 : i32
      %dma_wait3A_34 = tpu.memref_slice %arg3[%dma_wait3A_32, %dma_wait3A_33] : memref<100000x128xf32, #tpu.memory_space<hbm>> -> memref<100000x128xf32, #tpu.memory_space<hbm>>
      %dma_wait3A_35 = tpu.memref_slice %arg8[%rem3A_24] : memref<8x!tpu.dma_semaphore, #tpu.memory_space<semaphore_mem>> -> memref<1x!tpu.dma_semaphore, #tpu.memory_space<semaphore_mem>>
      %dma_wait3A_36 = tpu.memref_squeeze %dma_wait3A_35 : memref<1x!tpu.dma_semaphore, #tpu.memory_space<semaphore_mem>> -> memref<!tpu.dma_semaphore, #tpu.memory_space<semaphore_mem>>
      tpu.wait_indirect_dma semaphore(%dma_wait3A_36 : memref<!tpu.dma_semaphore, #tpu.memory_space<semaphore_mem>>) src(%dma_wait3A_34 : memref<100000x128xf32, #tpu.memory_space<hbm>>) dst(%dma_wait3A_28 : memref<50x128xf32, #tpu.memory_space<vmem>>)
      %broadcast_in_dim3A = arith.constant 0.000000e+00 : f32
      %broadcast_in_dim3A_37 = vector.broadcast %broadcast_in_dim3A : f32 to vector<16xf32>
      %broadcast_in_dim3A_38 = arith.constant 0.000000e+00 : f32
      %broadcast_in_dim3A_39 = vector.broadcast %broadcast_in_dim3A_38 : f32 to vector<16xf32>
      %broadcast_in_dim3A_40 = arith.constant 0.000000e+00 : f32
      %broadcast_in_dim3A_41 = vector.broadcast %broadcast_in_dim3A_40 : f32 to vector<16xf32>
      %broadcast_in_dim3A_42 = arith.constant 0.000000e+00 : f32
      %broadcast_in_dim3A_43 = vector.broadcast %broadcast_in_dim3A_42 : f32 to vector<16xf32>
      %broadcast_in_dim3A_44 = arith.constant 0.000000e+00 : f32
      %broadcast_in_dim3A_45 = vector.broadcast %broadcast_in_dim3A_44 : f32 to vector<16xf32>
      %broadcast_in_dim3A_46 = arith.constant 0.000000e+00 : f32
      %broadcast_in_dim3A_47 = vector.broadcast %broadcast_in_dim3A_46 : f32 to vector<16xf32>
      %broadcast_in_dim3A_48 = arith.constant 0.000000e+00 : f32
      %broadcast_in_dim3A_49 = vector.broadcast %broadcast_in_dim3A_48 : f32 to vector<16xf32>
      %broadcast_in_dim3A_50 = arith.constant 0.000000e+00 : f32
      %broadcast_in_dim3A_51 = vector.broadcast %broadcast_in_dim3A_50 : f32 to vector<16xf32>
      %scan3A_52 = arith.constant 0 : i32
      %scan3A_53 = arith.constant 50 : i32
      %scan3A_54 = arith.addi %scan3A_52, %scan3A_53 : i32
      %scan3A_55 = arith.constant 1 : i32
      %scan3A_56:8 = scf.for %scan3A_101 = %scan3A_52 to %scan3A_54 step %scan3A_55 iter_args(%scan3A_102 = %broadcast_in_dim3A_37, %scan3A_103 = %broadcast_in_dim3A_39, %scan3A_104 = %broadcast_in_dim3A_41, %scan3A_105 = %broadcast_in_dim3A_43, %scan3A_106 = %broadcast_in_dim3A_45, %scan3A_107 = %broadcast_in_dim3A_47, %scan3A_108 = %broadcast_in_dim3A_49, %scan3A_109 = %broadcast_in_dim3A_51) -> (vector<16xf32>, vector<16xf32>, vector<16xf32>, vector<16xf32>, vector<16xf32>, vector<16xf32>, vector<16xf32>, vector<16xf32>)  : i32 {
        %add3A_110 = arith.constant 0 : i32
        %add3A_111 = arith.addi %add3A_110, %scan3A_101 : i32
        %get3A = arith.constant 0 : i32
        %get3A_112 = arith.constant 0 : i32
        %get3A_113 = tpu.memref_slice %arg6[%rem3A_24, %get3A, %get3A_112] : memref<8x50x128xf32, #tpu.memory_space<vmem>> -> memref<1x50x128xf32, #tpu.memory_space<vmem>>
        %get3A_114 = tpu.memref_squeeze %get3A_113 : memref<1x50x128xf32, #tpu.memory_space<vmem>> -> memref<50x128xf32, #tpu.memory_space<vmem>>
        %get3A_115 = arith.index_cast %add3A_111 : i32 to index
        %get3A_116 = arith.constant 0 : index
        %get3A_117 = tpu.vector_load %get3A_114[%get3A_115, %get3A_116] {strides = array<i32>} : memref<50x128xf32, #tpu.memory_space<vmem>>, vector<1x16xf32>,
        %get3A_118 = vector.shape_cast %get3A_117 : vector<1x16xf32> to vector<16xf32>
        %add3A_119 = arith.addf %scan3A_102, %get3A_118 : vector<16xf32>
        %add3A_120 = arith.constant 0 : i32
        %add3A_121 = arith.addi %add3A_120, %scan3A_101 : i32
        %get3A_122 = arith.constant 0 : i32
        %get3A_123 = arith.constant 0 : i32
        %get3A_124 = tpu.memref_slice %arg6[%rem3A_24, %get3A_122, %get3A_123] : memref<8x50x128xf32, #tpu.memory_space<vmem>> -> memref<1x50x128xf32, #tpu.memory_space<vmem>>
        %get3A_125 = tpu.memref_squeeze %get3A_124 : memref<1x50x128xf32, #tpu.memory_space<vmem>> -> memref<50x128xf32, #tpu.memory_space<vmem>>
        %get3A_126 = arith.index_cast %add3A_121 : i32 to index
        %get3A_127 = arith.constant 16 : index
        %get3A_128 = tpu.vector_load %get3A_125[%get3A_126, %get3A_127] {strides = array<i32>} : memref<50x128xf32, #tpu.memory_space<vmem>>, vector<1x16xf32>,
        %get3A_129 = vector.shape_cast %get3A_128 : vector<1x16xf32> to vector<16xf32>
        %add3A_130 = arith.addf %scan3A_103, %get3A_129 : vector<16xf32>
        %add3A_131 = arith.constant 0 : i32
        %add3A_132 = arith.addi %add3A_131, %scan3A_101 : i32
        %get3A_133 = arith.constant 0 : i32
        %get3A_134 = arith.constant 0 : i32
        %get3A_135 = tpu.memref_slice %arg6[%rem3A_24, %get3A_133, %get3A_134] : memref<8x50x128xf32, #tpu.memory_space<vmem>> -> memref<1x50x128xf32, #tpu.memory_space<vmem>>
        %get3A_136 = tpu.memref_squeeze %get3A_135 : memref<1x50x128xf32, #tpu.memory_space<vmem>> -> memref<50x128xf32, #tpu.memory_space<vmem>>
        %get3A_137 = arith.index_cast %add3A_132 : i32 to index
        %get3A_138 = arith.constant 32 : index
        %get3A_139 = tpu.vector_load %get3A_136[%get3A_137, %get3A_138] {strides = array<i32>} : memref<50x128xf32, #tpu.memory_space<vmem>>, vector<1x16xf32>,
        %get3A_140 = vector.shape_cast %get3A_139 : vector<1x16xf32> to vector<16xf32>
        %add3A_141 = arith.addf %scan3A_104, %get3A_140 : vector<16xf32>
        %add3A_142 = arith.constant 0 : i32
        %add3A_143 = arith.addi %add3A_142, %scan3A_101 : i32
        %get3A_144 = arith.constant 0 : i32
        %get3A_145 = arith.constant 0 : i32
        %get3A_146 = tpu.memref_slice %arg6[%rem3A_24, %get3A_144, %get3A_145] : memref<8x50x128xf32, #tpu.memory_space<vmem>> -> memref<1x50x128xf32, #tpu.memory_space<vmem>>
        %get3A_147 = tpu.memref_squeeze %get3A_146 : memref<1x50x128xf32, #tpu.memory_space<vmem>> -> memref<50x128xf32, #tpu.memory_space<vmem>>
        %get3A_148 = arith.index_cast %add3A_143 : i32 to index
        %get3A_149 = arith.constant 48 : index
        %get3A_150 = tpu.vector_load %get3A_147[%get3A_148, %get3A_149] {strides = array<i32>} : memref<50x128xf32, #tpu.memory_space<vmem>>, vector<1x16xf32>,
        %get3A_151 = vector.shape_cast %get3A_150 : vector<1x16xf32> to vector<16xf32>
        %add3A_152 = arith.addf %scan3A_105, %get3A_151 : vector<16xf32>
        %add3A_153 = arith.constant 0 : i32
        %add3A_154 = arith.addi %add3A_153, %scan3A_101 : i32
        %get3A_155 = arith.constant 0 : i32
        %get3A_156 = arith.constant 0 : i32
        %get3A_157 = tpu.memref_slice %arg6[%rem3A_24, %get3A_155, %get3A_156] : memref<8x50x128xf32, #tpu.memory_space<vmem>> -> memref<1x50x128xf32, #tpu.memory_space<vmem>>
        %get3A_158 = tpu.memref_squeeze %get3A_157 : memref<1x50x128xf32, #tpu.memory_space<vmem>> -> memref<50x128xf32, #tpu.memory_space<vmem>>
        %get3A_159 = arith.index_cast %add3A_154 : i32 to index
        %get3A_160 = arith.constant 64 : index
        %get3A_161 = tpu.vector_load %get3A_158[%get3A_159, %get3A_160] {strides = array<i32>} : memref<50x128xf32, #tpu.memory_space<vmem>>, vector<1x16xf32>,
        %get3A_162 = vector.shape_cast %get3A_161 : vector<1x16xf32> to vector<16xf32>
        %add3A_163 = arith.addf %scan3A_106, %get3A_162 : vector<16xf32>
        %add3A_164 = arith.constant 0 : i32
        %add3A_165 = arith.addi %add3A_164, %scan3A_101 : i32
        %get3A_166 = arith.constant 0 : i32
        %get3A_167 = arith.constant 0 : i32
        %get3A_168 = tpu.memref_slice %arg6[%rem3A_24, %get3A_166, %get3A_167] : memref<8x50x128xf32, #tpu.memory_space<vmem>> -> memref<1x50x128xf32, #tpu.memory_space<vmem>>
        %get3A_169 = tpu.memref_squeeze %get3A_168 : memref<1x50x128xf32, #tpu.memory_space<vmem>> -> memref<50x128xf32, #tpu.memory_space<vmem>>
        %get3A_170 = arith.index_cast %add3A_165 : i32 to index
        %get3A_171 = arith.constant 80 : index
        %get3A_172 = tpu.vector_load %get3A_169[%get3A_170, %get3A_171] {strides = array<i32>} : memref<50x128xf32, #tpu.memory_space<vmem>>, vector<1x16xf32>,
        %get3A_173 = vector.shape_cast %get3A_172 : vector<1x16xf32> to vector<16xf32>
        %add3A_174 = arith.addf %scan3A_107, %get3A_173 : vector<16xf32>
        %add3A_175 = arith.constant 0 : i32
        %add3A_176 = arith.addi %add3A_175, %scan3A_101 : i32
        %get3A_177 = arith.constant 0 : i32
        %get3A_178 = arith.constant 0 : i32
        %get3A_179 = tpu.memref_slice %arg6[%rem3A_24, %get3A_177, %get3A_178] : memref<8x50x128xf32, #tpu.memory_space<vmem>> -> memref<1x50x128xf32, #tpu.memory_space<vmem>>
        %get3A_180 = tpu.memref_squeeze %get3A_179 : memref<1x50x128xf32, #tpu.memory_space<vmem>> -> memref<50x128xf32, #tpu.memory_space<vmem>>
        %get3A_181 = arith.index_cast %add3A_176 : i32 to index
        %get3A_182 = arith.constant 96 : index
        %get3A_183 = tpu.vector_load %get3A_180[%get3A_181, %get3A_182] {strides = array<i32>} : memref<50x128xf32, #tpu.memory_space<vmem>>, vector<1x16xf32>,
        %get3A_184 = vector.shape_cast %get3A_183 : vector<1x16xf32> to vector<16xf32>
        %add3A_185 = arith.addf %scan3A_108, %get3A_184 : vector<16xf32>
        %add3A_186 = arith.constant 0 : i32
        %add3A_187 = arith.addi %add3A_186, %scan3A_101 : i32
        %get3A_188 = arith.constant 0 : i32
        %get3A_189 = arith.constant 0 : i32
        %get3A_190 = tpu.memref_slice %arg6[%rem3A_24, %get3A_188, %get3A_189] : memref<8x50x128xf32, #tpu.memory_space<vmem>> -> memref<1x50x128xf32, #tpu.memory_space<vmem>>
        %get3A_191 = tpu.memref_squeeze %get3A_190 : memref<1x50x128xf32, #tpu.memory_space<vmem>> -> memref<50x128xf32, #tpu.memory_space<vmem>>
        %get3A_192 = arith.index_cast %add3A_187 : i32 to index
        %get3A_193 = arith.constant 112 : index
        %get3A_194 = tpu.vector_load %get3A_191[%get3A_192, %get3A_193] {strides = array<i32>} : memref<50x128xf32, #tpu.memory_space<vmem>>, vector<1x16xf32>,
        %get3A_195 = vector.shape_cast %get3A_194 : vector<1x16xf32> to vector<16xf32>
        %add3A_196 = arith.addf %scan3A_109, %get3A_195 : vector<16xf32>
        scf.yield %add3A_119, %add3A_130, %add3A_141, %add3A_152, %add3A_163, %add3A_174, %add3A_185, %add3A_196 : vector<16xf32>, vector<16xf32>, vector<16xf32>, vector<16xf32>, vector<16xf32>, vector<16xf32>, vector<16xf32>, vector<16xf32>
      }
      %scan3A_57 = arith.constant 50 : i32
      %mul3A_58 = arith.constant 1 : i32
      %mul3A_59 = arith.muli %add3A_23, %mul3A_58 : i32
      %add3A_60 = arith.constant 0 : i32
      %add3A_61 = arith.addi %mul3A_59, %add3A_60 : i32
      %swap3A = arith.index_cast %add3A_61 : i32 to index
      %swap3A_62 = arith.constant 0 : index
      %swap3A_63 = tpu.vector_load %arg7[%swap3A, %swap3A_62] {strides = array<i32>} : memref<128x128xf32, #tpu.memory_space<vmem>>, vector<1x16xf32>,
      %swap3A_64 = vector.shape_cast %swap3A_63 : vector<1x16xf32> to vector<16xf32>
      %swap3A_65 = vector.shape_cast %scan3A_56#0 : vector<16xf32> to vector<1x16xf32>
      tpu.vector_store %arg7[%swap3A, %swap3A_62], %swap3A_65 {strides = array<i32>} : memref<128x128xf32, #tpu.memory_space<vmem>>, vector<1x16xf32>,
      %swap3A_66 = arith.index_cast %add3A_61 : i32 to index
      %swap3A_67 = arith.constant 16 : index
      %swap3A_68 = tpu.vector_load %arg7[%swap3A_66, %swap3A_67] {strides = array<i32>} : memref<128x128xf32, #tpu.memory_space<vmem>>, vector<1x16xf32>,
      %swap3A_69 = vector.shape_cast %swap3A_68 : vector<1x16xf32> to vector<16xf32>
      %swap3A_70 = vector.shape_cast %scan3A_56#1 : vector<16xf32> to vector<1x16xf32>
      tpu.vector_store %arg7[%swap3A_66, %swap3A_67], %swap3A_70 {strides = array<i32>} : memref<128x128xf32, #tpu.memory_space<vmem>>, vector<1x16xf32>,
      %swap3A_71 = arith.index_cast %add3A_61 : i32 to index
      %swap3A_72 = arith.constant 32 : index
      %swap3A_73 = tpu.vector_load %arg7[%swap3A_71, %swap3A_72] {strides = array<i32>} : memref<128x128xf32, #tpu.memory_space<vmem>>, vector<1x16xf32>,
      %swap3A_74 = vector.shape_cast %swap3A_73 : vector<1x16xf32> to vector<16xf32>
      %swap3A_75 = vector.shape_cast %scan3A_56#2 : vector<16xf32> to vector<1x16xf32>
      tpu.vector_store %arg7[%swap3A_71, %swap3A_72], %swap3A_75 {strides = array<i32>} : memref<128x128xf32, #tpu.memory_space<vmem>>, vector<1x16xf32>,
      %swap3A_76 = arith.index_cast %add3A_61 : i32 to index
      %swap3A_77 = arith.constant 48 : index
      %swap3A_78 = tpu.vector_load %arg7[%swap3A_76, %swap3A_77] {strides = array<i32>} : memref<128x128xf32, #tpu.memory_space<vmem>>, vector<1x16xf32>,
      %swap3A_79 = vector.shape_cast %swap3A_78 : vector<1x16xf32> to vector<16xf32>
      %swap3A_80 = vector.shape_cast %scan3A_56#3 : vector<16xf32> to vector<1x16xf32>
      tpu.vector_store %arg7[%swap3A_76, %swap3A_77], %swap3A_80 {strides = array<i32>} : memref<128x128xf32, #tpu.memory_space<vmem>>, vector<1x16xf32>,
      %swap3A_81 = arith.index_cast %add3A_61 : i32 to index
      %swap3A_82 = arith.constant 64 : index
      %swap3A_83 = tpu.vector_load %arg7[%swap3A_81, %swap3A_82] {strides = array<i32>} : memref<128x128xf32, #tpu.memory_space<vmem>>, vector<1x16xf32>,
      %swap3A_84 = vector.shape_cast %swap3A_83 : vector<1x16xf32> to vector<16xf32>
      %swap3A_85 = vector.shape_cast %scan3A_56#4 : vector<16xf32> to vector<1x16xf32>
      tpu.vector_store %arg7[%swap3A_81, %swap3A_82], %swap3A_85 {strides = array<i32>} : memref<128x128xf32, #tpu.memory_space<vmem>>, vector<1x16xf32>,
      %swap3A_86 = arith.index_cast %add3A_61 : i32 to index
      %swap3A_87 = arith.constant 80 : index
      %swap3A_88 = tpu.vector_load %arg7[%swap3A_86, %swap3A_87] {strides = array<i32>} : memref<128x128xf32, #tpu.memory_space<vmem>>, vector<1x16xf32>,
      %swap3A_89 = vector.shape_cast %swap3A_88 : vector<1x16xf32> to vector<16xf32>
      %swap3A_90 = vector.shape_cast %scan3A_56#5 : vector<16xf32> to vector<1x16xf32>
      tpu.vector_store %arg7[%swap3A_86, %swap3A_87], %swap3A_90 {strides = array<i32>} : memref<128x128xf32, #tpu.memory_space<vmem>>, vector<1x16xf32>,
      %swap3A_91 = arith.index_cast %add3A_61 : i32 to index
      %swap3A_92 = arith.constant 96 : index
      %swap3A_93 = tpu.vector_load %arg7[%swap3A_91, %swap3A_92] {strides = array<i32>} : memref<128x128xf32, #tpu.memory_space<vmem>>, vector<1x16xf32>,
      %swap3A_94 = vector.shape_cast %swap3A_93 : vector<1x16xf32> to vector<16xf32>
      %swap3A_95 = vector.shape_cast %scan3A_56#6 : vector<16xf32> to vector<1x16xf32>
      tpu.vector_store %arg7[%swap3A_91, %swap3A_92], %swap3A_95 {strides = array<i32>} : memref<128x128xf32, #tpu.memory_space<vmem>>, vector<1x16xf32>,
      %swap3A_96 = arith.index_cast %add3A_61 : i32 to index
      %swap3A_97 = arith.constant 112 : index
      %swap3A_98 = tpu.vector_load %arg7[%swap3A_96, %swap3A_97] {strides = array<i32>} : memref<128x128xf32, #tpu.memory_space<vmem>>, vector<1x16xf32>,
      %swap3A_99 = vector.shape_cast %swap3A_98 : vector<1x16xf32> to vector<16xf32>
      %swap3A_100 = vector.shape_cast %scan3A_56#7 : vector<16xf32> to vector<1x16xf32>
      tpu.vector_store %arg7[%swap3A_96, %swap3A_97], %swap3A_100 {strides = array<i32>} : memref<128x128xf32, #tpu.memory_space<vmem>>, vector<1x16xf32>,
    }
    %scan3A_16 = arith.constant 8 : i32
    %mul3A_17 = arith.constant 128 : i32
    %mul3A_18 = arith.muli %add3A, %mul3A_17 : i32
    "tpu.region"() ({
      %run_scoped3A = tpu.sem_alloc : memref<!tpu.dma_semaphore, #tpu.memory_space<semaphore_mem>>
      %dma_start3A = arith.constant 0 : i32
      %dma_start3A_19 = tpu.memref_slice %arg4[%mul3A_18, %dma_start3A] : memref<4096x128xf32, #tpu.memory_space<hbm>> -> memref<128x128xf32, #tpu.memory_space<hbm>>
      %dma_start3A_20 = arith.constant 0 : i32
      %dma_start3A_21 = tpu.memref_slice %arg4[%mul3A_18, %dma_start3A_20] : memref<4096x128xf32, #tpu.memory_space<hbm>> -> memref<128x128xf32, #tpu.memory_space<hbm>>
      tpu.enqueue_dma source(%arg7 : memref<128x128xf32, #tpu.memory_space<vmem>>) target(%dma_start3A_21 : memref<128x128xf32, #tpu.memory_space<hbm>>) target_semaphore(%run_scoped3A : memref<!tpu.dma_semaphore, #tpu.memory_space<semaphore_mem>>)
      %dma_wait3A = arith.constant 0 : i32
      %dma_wait3A_22 = tpu.memref_slice %arg4[%mul3A_18, %dma_wait3A] : memref<4096x128xf32, #tpu.memory_space<hbm>> -> memref<128x128xf32, #tpu.memory_space<hbm>>
      %dma_wait3A_23 = arith.constant 0 : i32
      %dma_wait3A_24 = tpu.memref_slice %arg4[%mul3A_18, %dma_wait3A_23] : memref<4096x128xf32, #tpu.memory_space<hbm>> -> memref<128x128xf32, #tpu.memory_space<hbm>>
      tpu.wait_dma2 semaphore(%run_scoped3A : memref<!tpu.dma_semaphore, #tpu.memory_space<semaphore_mem>>) src(%arg7 : memref<128x128xf32, #tpu.memory_space<vmem>>) dst(%dma_wait3A_24 : memref<128x128xf32, #tpu.memory_space<hbm>>)
      tpu.yield
    }) : () -> ()
    return
  }
}

module attributes {stable_mosaic.version = 14 : i64} {
  func.func @_mlp_block(%arg0: i32, %arg1: memref<2048x128xf32, #tpu.memory_space<vmem>>, %arg2: memref<128x128xf32, #tpu.memory_space<vmem>>, %arg3: memref<1x128xf32, #tpu.memory_space<vmem>>, %arg4: memref<128x128xf32, #tpu.memory_space<vmem>>, %arg5: memref<1x128xf32, #tpu.memory_space<vmem>>, %arg6: memref<128x64xf32, #tpu.memory_space<vmem>>, %arg7: memref<1x64xf32, #tpu.memory_space<vmem>>, %arg8: memref<2048x64xf32, #tpu.memory_space<vmem>>) attributes {dimension_semantics = [#tpu.dimension_semantics<arbitrary>], iteration_bounds = array<i64: 2>, scalar_prefetch = 0 : i64, scratch_operands = 0 : i64, tpu.core_type = #tpu.core_type<tc>, window_params = [{transform_indices = @transform_0, window_bounds = array<i64: 2048, 128>}, {pipeline_mode = #tpu.pipeline_mode<synchronous>, transform_indices = @transform_1, window_bounds = array<i64: 128, 128>}, {pipeline_mode = #tpu.pipeline_mode<synchronous>, transform_indices = @transform_2, window_bounds = array<i64: 1, 128>}, {pipeline_mode = #tpu.pipeline_mode<synchronous>, transform_indices = @transform_3, window_bounds = array<i64: 128, 128>}, {pipeline_mode = #tpu.pipeline_mode<synchronous>, transform_indices = @transform_4, window_bounds = array<i64: 1, 128>}, {pipeline_mode = #tpu.pipeline_mode<synchronous>, transform_indices = @transform_5, window_bounds = array<i64: 128, 64>}, {pipeline_mode = #tpu.pipeline_mode<synchronous>, transform_indices = @transform_6, window_bounds = array<i64: 1, 64>}, {transform_indices = @transform_7, window_bounds = array<i64: 2048, 64>}]} {
    %get3A = arith.constant 0 : index
    %get3A_0 = arith.constant 0 : index
    %get3A_1 = vector.load %arg1[%get3A, %get3A_0] : memref<2048x128xf32, #tpu.memory_space<vmem>>, vector<2048x128xf32>
    %get3A_2 = arith.constant 0 : index
    %get3A_3 = arith.constant 0 : index
    %get3A_4 = vector.load %arg2[%get3A_2, %get3A_3] : memref<128x128xf32, #tpu.memory_space<vmem>>, vector<128x128xf32>
    %dot_general3A = arith.constant dense<0.000000e+00> : vector<2048x128xf32>
    %dot_general3A_5 = tpu.matmul %get3A_1, %get3A_4, %dot_general3A {dimension_numbers = #tpu.dot_dimension_numbers<[1], [0], [0], [1], [0, 0, 1, 1], [], []>, transpose_lhs_hint = false} : vector<2048x128xf32>, vector<128x128xf32>, vector<2048x128xf32> -> vector<2048x128xf32>
    %get3A_6 = arith.constant 0 : index
    %get3A_7 = arith.constant 0 : index
    %get3A_8 = vector.load %arg3[%get3A_6, %get3A_7] : memref<1x128xf32, #tpu.memory_space<vmem>>, vector<1x128xf32>
    %add3A = vector.broadcast %get3A_8 : vector<1x128xf32> to vector<2048x128xf32>
    %add3A_9 = arith.addf %dot_general3A_5, %add3A : vector<2048x128xf32>
    %max3A = arith.constant 0.000000e+00 : f32
    %max3A_10 = vector.broadcast %max3A : f32 to vector<2048x128xf32>
    %max3A_11 = arith.maximumf %add3A_9, %max3A_10 : vector<2048x128xf32>
    %get3A_12 = arith.constant 0 : index
    %get3A_13 = arith.constant 0 : index
    %get3A_14 = vector.load %arg4[%get3A_12, %get3A_13] : memref<128x128xf32, #tpu.memory_space<vmem>>, vector<128x128xf32>
    %dot_general3A_15 = arith.constant dense<0.000000e+00> : vector<2048x128xf32>
    %dot_general3A_16 = tpu.matmul %max3A_11, %get3A_14, %dot_general3A_15 {dimension_numbers = #tpu.dot_dimension_numbers<[1], [0], [0], [1], [0, 0, 1, 1], [], []>, transpose_lhs_hint = false} : vector<2048x128xf32>, vector<128x128xf32>, vector<2048x128xf32> -> vector<2048x128xf32>
    %get3A_17 = arith.constant 0 : index
    %get3A_18 = arith.constant 0 : index
    %get3A_19 = vector.load %arg5[%get3A_17, %get3A_18] : memref<1x128xf32, #tpu.memory_space<vmem>>, vector<1x128xf32>
    %add3A_20 = vector.broadcast %get3A_19 : vector<1x128xf32> to vector<2048x128xf32>
    %add3A_21 = arith.addf %dot_general3A_16, %add3A_20 : vector<2048x128xf32>
    %max3A_22 = arith.constant 0.000000e+00 : f32
    %max3A_23 = vector.broadcast %max3A_22 : f32 to vector<2048x128xf32>
    %max3A_24 = arith.maximumf %add3A_21, %max3A_23 : vector<2048x128xf32>
    %get3A_25 = arith.constant 0 : index
    %get3A_26 = arith.constant 0 : index
    %get3A_27 = vector.load %arg4[%get3A_25, %get3A_26] : memref<128x128xf32, #tpu.memory_space<vmem>>, vector<128x128xf32>
    %dot_general3A_28 = arith.constant dense<0.000000e+00> : vector<2048x128xf32>
    %dot_general3A_29 = tpu.matmul %max3A_24, %get3A_27, %dot_general3A_28 {dimension_numbers = #tpu.dot_dimension_numbers<[1], [0], [0], [1], [0, 0, 1, 1], [], []>, transpose_lhs_hint = false} : vector<2048x128xf32>, vector<128x128xf32>, vector<2048x128xf32> -> vector<2048x128xf32>
    %get3A_30 = arith.constant 0 : index
    %get3A_31 = arith.constant 0 : index
    %get3A_32 = vector.load %arg5[%get3A_30, %get3A_31] : memref<1x128xf32, #tpu.memory_space<vmem>>, vector<1x128xf32>
    %add3A_33 = vector.broadcast %get3A_32 : vector<1x128xf32> to vector<2048x128xf32>
    %add3A_34 = arith.addf %dot_general3A_29, %add3A_33 : vector<2048x128xf32>
    %max3A_35 = arith.constant 0.000000e+00 : f32
    %max3A_36 = vector.broadcast %max3A_35 : f32 to vector<2048x128xf32>
    %max3A_37 = arith.maximumf %add3A_34, %max3A_36 : vector<2048x128xf32>
    %get3A_38 = arith.constant 0 : index
    %get3A_39 = arith.constant 0 : index
    %get3A_40 = vector.load %arg6[%get3A_38, %get3A_39] : memref<128x64xf32, #tpu.memory_space<vmem>>, vector<128x64xf32>
    %dot_general3A_41 = arith.constant dense<0.000000e+00> : vector<2048x64xf32>
    %dot_general3A_42 = tpu.matmul %max3A_37, %get3A_40, %dot_general3A_41 {dimension_numbers = #tpu.dot_dimension_numbers<[1], [0], [0], [1], [0, 0, 1, 1], [], []>, transpose_lhs_hint = false} : vector<2048x128xf32>, vector<128x64xf32>, vector<2048x64xf32> -> vector<2048x64xf32>
    %get3A_43 = arith.constant 0 : index
    %get3A_44 = arith.constant 0 : index
    %get3A_45 = vector.load %arg7[%get3A_43, %get3A_44] : memref<1x64xf32, #tpu.memory_space<vmem>>, vector<1x64xf32>
    %add3A_46 = vector.broadcast %get3A_45 : vector<1x64xf32> to vector<2048x64xf32>
    %add3A_47 = arith.addf %dot_general3A_42, %add3A_46 : vector<2048x64xf32>
    %swap3A = arith.constant 0 : index
    %swap3A_48 = arith.constant 0 : index
    %swap3A_49 = vector.load %arg8[%swap3A, %swap3A_48] : memref<2048x64xf32, #tpu.memory_space<vmem>>, vector<2048x64xf32>
    tpu.vector_store %arg8[%swap3A, %swap3A_48], %add3A_47 {strides = array<i32>} : memref<2048x64xf32, #tpu.memory_space<vmem>>, vector<2048x64xf32>,
    return
  }
  func.func @transform_0(%arg0: i32) -> (i32, i32) {
    %c0_i32 = arith.constant 0 : i32
    %c0_i32_0 = arith.constant 0 : i32
    return %arg0, %c0_i32 : i32, i32
  }
  func.func @transform_1(%arg0: i32) -> (i32, i32) {
    %c0_i32 = arith.constant 0 : i32
    %c0_i32_0 = arith.constant 0 : i32
    %c0_i32_1 = arith.constant 0 : i32
    return %c0_i32, %c0_i32_0 : i32, i32
  }
  func.func @transform_2(%arg0: i32) -> (i32, i32) {
    %c0_i32 = arith.constant 0 : i32
    %c0_i32_0 = arith.constant 0 : i32
    %c0_i32_1 = arith.constant 0 : i32
    return %c0_i32, %c0_i32_0 : i32, i32
  }
  func.func @transform_3(%arg0: i32) -> (i32, i32) {
    %c0_i32 = arith.constant 0 : i32
    %c0_i32_0 = arith.constant 0 : i32
    %c0_i32_1 = arith.constant 0 : i32
    return %c0_i32, %c0_i32_0 : i32, i32
  }
  func.func @transform_4(%arg0: i32) -> (i32, i32) {
    %c0_i32 = arith.constant 0 : i32
    %c0_i32_0 = arith.constant 0 : i32
    %c0_i32_1 = arith.constant 0 : i32
    return %c0_i32, %c0_i32_0 : i32, i32
  }
  func.func @transform_5(%arg0: i32) -> (i32, i32) {
    %c0_i32 = arith.constant 0 : i32
    %c0_i32_0 = arith.constant 0 : i32
    %c0_i32_1 = arith.constant 0 : i32
    return %c0_i32, %c0_i32_0 : i32, i32
  }
  func.func @transform_6(%arg0: i32) -> (i32, i32) {
    %c0_i32 = arith.constant 0 : i32
    %c0_i32_0 = arith.constant 0 : i32
    %c0_i32_1 = arith.constant 0 : i32
    return %c0_i32, %c0_i32_0 : i32, i32
  }
  func.func @transform_7(%arg0: i32) -> (i32, i32) {
    %c0_i32 = arith.constant 0 : i32
    %c0_i32_0 = arith.constant 0 : i32
    return %arg0, %c0_i32 : i32, i32
  }
}

</mosaic_0001>

<sc_bundles>
// kernel: kernel.4.cloned.1.call-start
scs
__scs_entry_jumppad:
0x0: {  	(pc) =	sbr.rel $0x88, $3  }
0x1: {  	(tag) =	ssettag $0x0;
	lr =	simm.s32 $0x1  }
0x2: {  	[smem:$0x3F99] =	sst lr;
	_ =	strace $0xD0000000  }
0x3: {  	_ = 	snop  }
0x4: {  	_ = 	snop  }
0x5: {  	_ = 	snop  }
0x6: {  	_ = 	snop  }
0x7: {  	_ = 	snop  }
__scs_overlays_trampoline_lowered:
0x8: {  	[smem:$0x3FA8] =	sst s0  }
0x9: {  	[smem:$0x3FA9] =	sst s1  }
0xa: {  	[smem:$0x3FAA] =	sst s2  }
0xb: {  	[smem:$0x3FAB] =	sst s3  }
0xc: {  	[smem:$0x3FAC] =	sst s4  }
0xd: {  	[smem:$0x3FAD] =	sst s5  }
0xe: {  	[smem:$0x3FAE] =	sst s6  }
0xf: {  	[smem:$0x3FAF] =	sst s7  }
0x10: {  	[smem:$0x3FB0] =	sst s8  }
0x11: {  	[smem:$0x3FB1] =	sst s9;
	s0 =	simm.s32 @!p0 $0x0  }
0x12: {  	s1 =	sld [smem:$0x3F97];
	s0 =	simm.s32 @p0 $0x1  }
0x13: {  	[smem:$0x3FB2] =	sst s0;
	s0 =	simm.s32 @!p1 $0x0  }
0x14: {  	s2 =	sld [smem:$0x3F96];
	s0 =	simm.s32 @p1 $0x1  }
0x15: {  	[smem:$0x3FB3] =	sst s0;
	s0 =	simm.s32 @!p2 $0x0  }
0x16: {  	s3 =	sld [smem:$0x3FDB];
	s0 =	simm.s32 @p2 $0x1  }
0x17: {  	s4 =	simm.s32 $0x1BF5;
	[smem:$0x3FB5] =	sst s0  }
0x18: {  	s0 =	sld [smem:$0x3F98];
	_ =	swait.ge [sflag:s4], $0x0  }
0x19: {  	s7 =	sld [smem:$0x3F99]  }
0x1a: {  	s8 =	sadd.s32 $0xFFFFE003, lr  }
0x1b: {  	s9 =	sadd.s32 $0xFFFFFEF7, lr;
	s5 =	simm.s32 $0xFFFFFFFF;
	p2 =	slt.u32 s8, $0xFFFFF086  }
0x1c: {  	p1 =	slt.u32 s9, $0xF7A;
	s5 =	simm.s32 @!p2 $0x0  }
0x1d: {  	s5 =	simm.s32 @p1 $0x1;
	p0 =	seq.s32 s7, s2  }
0x1e: {  	s7 =	smul.u32 @!p0 $0xF7A, s2;
	p2 =	seq.s32 @!p0 s5, $0x0  }
0x1f: {  	s9 =	smul.u32 $0xF7A, s1;
	s8 =	simm.s32 @!p0 $0x1BF5;
	p2 =	por !p2, p0  }
0x20: {  	[sflag:s8] =	ssyncset.s32 @!p0 $0xFFFFF086;
	s6 =	sadd.s32 @!p0 s3, s7;
	s7 =	simm.s32 @!p0 $0x108  }
0x21: {  	s3 =	sadd.s32 s3, s9;
	s6 =	sadd.s32 @!p0 $0x88, s6;
	s7 =	simm.s32 @p2 $0x1082  }
0x22: {  	[simem:s7], [sflag:s8] =	dma.local @!p0 [hbm:s6], $0xF7A  }
0x23: {  	s9 =	sor.u32 $0xD0000000, s2;
	s6 =	simm.s32 $0x108;
	_ =	swait.ge @!p0 [sflag:s8], $0x0  }
0x24: {  	s3 =	sadd.s32 $0x88, s3;
	s6 =	simm.s32 @!p1 $0x1082;
	[sflag:s4] =	ssyncset.s32 $0xFFFFF086  }
0x25: {  	[simem:s6], [sflag:s4] =	dma.local [hbm:s3], $0xF7A  }
0x26: {  	[smem:$0x3F99] =	sst s1;
	(tag) =	ssettag s2;
	_ =	strace s9  }
0x27: {  	s1 =	sld [smem:$0x3FA9]  }
0x28: {  	s2 =	sld [smem:$0x3FAA]  }
0x29: {  	s4 =	sld [smem:$0x3FAC]  }
0x2a: {  	p0 =	seq.s32 s5, $0x0;
	s5 =	sld [smem:$0x3FAD]  }
0x2b: {  	s6 =	sld [smem:$0x3FAE]  }
0x2c: {  	s7 =	sld [smem:$0x3FAF]  }
0x2d: {  	s3 =	simm.s32 $0x108;
	s8 =	sld [smem:$0x3FB0]  }
0x2e: {  	s3 =	simm.s32 @!p0 $0x1082;
	s9 =	sld [smem:$0x3FB1]  }
0x2f: {  	lr =	sadd.s32 s0, s3;
	s0 =	sld [smem:$0x3FA8]  }
0x30: {  	s3 =	sld [smem:$0x3FAB]  }
0x31: {  	[smem:$0x3FB4] =	sst s10  }
0x32: {  	s10 =	sld [smem:$0x3FB2];
	_ =	sdelay $0x3  }
0x33: {  	p0 =	seq.s32 s10, $0x1;
	s10 =	sld [smem:$0x3FB4];
	_ =	sdelay $0x3  }
0x34: {  	[smem:$0x3FB4] =	sst s10  }
0x35: {  	s10 =	sld [smem:$0x3FB3];
	_ =	sdelay $0x3  }
0x36: {  	p1 =	seq.s32 s10, $0x1;
	s10 =	sld [smem:$0x3FB4];
	_ =	sdelay $0x3  }
0x37: {  	[smem:$0x3FB4] =	sst s10  }
0x38: {  	s10 =	sld [smem:$0x3FB5]  }
0x39: {  	_ = 	snop;
	(pc) =	sbr.ind lr, $3  }
0x3a: {  	_ = 	snop  }
0x3b: {  	_ = 	snop  }
0x3c: {  	p2 =	seq.s32 s10, $0x1;
	s10 =	sld [smem:$0x3FB4]  }
0x3d: {  	_ =	shalt  }
0x3e: {  	_ =	shalt  }
0x3f: {  	_ =	shalt  }
0x40: {  	_ =	shalt  }
0x41: {  	_ =	shalt  }
0x42: {  	_ =	shalt  }
0x43: {  	_ =	shalt  }
0x44: {  	_ =	shalt  }
0x45: {  	_ =	shalt  }
0x46: {  	_ =	shalt  }
0x47: {  	_ =	shalt  }
0x48: {  	_ =	shalt  }
0x49: {  	_ =	shalt  }
0x4a: {  	_ =	shalt  }
0x4b: {  	_ =	shalt  }
0x4c: {  	_ =	shalt  }
0x4d: {  	_ =	shalt  }
0x4e: {  	_ =	shalt  }
0x4f: {  	_ =	shalt  }
0x50: {  	_ =	shalt  }
0x51: {  	_ =	shalt  }
0x52: {  	_ =	shalt  }
0x53: {  	_ =	shalt  }
0x54: {  	_ =	shalt  }
0x55: {  	_ =	shalt  }
0x56: {  	_ =	shalt  }
0x57: {  	_ =	shalt  }
0x58: {  	_ =	shalt  }
0x59: {  	_ =	shalt  }
0x5a: {  	_ =	shalt  }
0x5b: {  	_ =	shalt  }
0x5c: {  	_ =	shalt  }
0x5d: {  	_ =	shalt  }
0x5e: {  	_ =	shalt  }
0x5f: {  	_ =	shalt  }
0x60: {  	_ =	shalt  }
0x61: {  	_ =	shalt  }
0x62: {  	_ =	shalt  }
0x63: {  	_ =	shalt  }
0x64: {  	_ =	shalt  }
0x65: {  	_ =	shalt  }
0x66: {  	_ =	shalt  }
0x67: {  	_ =	shalt  }
0x68: {  	_ =	shalt  }
0x69: {  	_ =	shalt  }
0x6a: {  	_ =	shalt  }
0x6b: {  	_ =	shalt  }
0x6c: {  	_ =	shalt  }
0x6d: {  	_ =	shalt  }
0x6e: {  	_ =	shalt  }
0x6f: {  	_ =	shalt  }
0x70: {  	_ =	shalt  }
0x71: {  	_ =	shalt  }
0x72: {  	_ =	shalt  }
0x73: {  	_ =	shalt  }
0x74: {  	_ =	shalt  }
0x75: {  	_ =	shalt  }
0x76: {  	_ =	shalt  }
0x77: {  	_ =	shalt  }
0x78: {  	_ =	shalt  }
0x79: {  	_ =	shalt  }
0x7a: {  	_ =	shalt  }
0x7b: {  	_ =	shalt  }
0x7c: {  	_ =	shalt  }
0x7d: {  	_ =	shalt  }
0x7e: {  	_ =	shalt  }
0x7f: {  	_ =	shalt  }
0x80: {  	_ =	shalt  }
0x81: {  	_ =	shalt  }
0x82: {  	_ =	shalt  }
0x83: {  	_ =	shalt  }
0x84: {  	_ =	shalt  }
0x85: {  	_ =	shalt  }
0x86: {  	_ =	shalt  }
0x87: {  	_ =	shalt  }
.Lfunc_end0:
.L_simem_size_0:
called_computation_lowered:
.L_overlay_start_0:
0x88: {  	s2 =	sld [smem:$0x3FD9]  }
0x89: {  	s3 =	sld [smem:$0x3FFE];
	_ =	sdelay $0x1  }
0x8a: {  	s1 =	srdreg.scid  }
0x8b: {  	s0 =	sand.u32 $0x1, s1  }
0x8c: {  	s17 =	sshll.u32 s0, $0xA;
	s2 =	sadd.s32 s3, s2  }
0x8d: {  	s2 =	sadd.s32 s2, s17  }
0x8e: {  	[smem:$0x3FC0] =	sst s2  }
0x8f: {  	_ = 	snop  }
0x90: {  	s2 =	sld [smem:$0x3FC8];
	(tm) =	ssettm $0x1  }
0x91: {  	s18 =	sld [smem:$0x3FFB];
	_ =	sdelay $0x3  }
0x92: {  	_ =	strace s18  }
0x93: {  	s3 =	sld [smem:$0x3FFC];
	_ =	sdelay $0x3  }
0x94: {  	_ =	strace s3  }
0x95: {  	s3 =	sld [smem:$0x3FFD];
	_ =	sdelay $0x3  }
0x96: {  	_ =	strace s3  }
0x97: {  	_ =	strace $0x8FFFFFFF  }
0x98: {  	s19 =	sld [smem:$0x3FDB];
	_ =	sdelay $0x1  }
0x99: {  	s4 =	simm.s32 $_scs_section_size  }
0x9a: {  	s5 =	simm.s32 $_size__tile_overlayer_lowered;
	s6 =	simm.s32 $_tile_overlayer_lowered  }
0x9b: {  	s22 =	simm.s32 $0x1BFF;
	s21 =	sshll.u32 s6, $0x1;
	s3 =	sadd.s32 s4, s19  }
0x9c: {  	s7 =	simm.s32 $0x0;
	s20 =	sshll.u32 s5, $0x1;
	s5 =	sadd.s32 s21, s3  }
0x9d: {  	[timem:s7], [sflag:s22] =	dma.local [hbm:s5], s20  }
0x9e: {  	_ =	swait.ge [sflag:s22], s20  }
0x9f: {  	s4 =	ssub.s32 $0x0, s20;
	[sflag:s22] =	ssyncset.done $0x0  }
0xa0: {  	[sflag:s22] =	ssyncadd.s32 s4;
	_ =	sdelay $0x1  }
0xa1: {  	s23 =	simm.s32 $0x1B8B  }
0xa2: {  	_ =	swait.ge [sflag:s23], $0x1  }
0xa3: {  	[sflag:s23] =	ssyncset.done $0x0  }
0xa4: {  	s25 =	simm.s32 $0x1B8E;
	s24 =	sld [smem:$0x3FFE];
	[sflag:s23] =	ssyncadd.s32 $0xFFFFFFFF  }
0xa5: {  	s26 =	simm.s32 $execute0_lowered;
	[smem:$0x3FD2] =	sst s25  }
0xa6: {  	s5 =	sshll.u32 s26, $0x1;
	_ =	strace $0x80000046;
	[dreg:$0x1] =	wrdreg $0xFFFFFFFF  }
0xa7: {  	s28 =	simm.s32 $_size_execute0_lowered;
	s3 =	sadd.s32 s3, s5;
	[dreg:$0x0] =	wrdreg $0x0  }
0xa8: {  	s5 =	sshll.u32 s28, $0x1;
	[dreg:$0x2] =	wrdreg s3  }
0xa9: {  	[dreg:$0x3] =	wrdreg s5  }
0xaa: {  	[dreg:$0x4] =	wrdreg $0xC0  }
0xab: {  	_ =	task [dreg:s7], $0x5FFFF  }
0xac: {  	[dreg:$0x1] =	wrdreg $0xFFFFFFFF  }
0xad: {  	[dreg:$0x0] =	wrdreg $0x60  }
0xae: {  	[dreg:$0x2] =	wrdreg s24  }
0xaf: {  	[dreg:$0x3] =	wrdreg s2  }
0xb0: {  	[dreg:$0x4] =	wrdreg $0x9  }
0xb1: {  	_ =	task.clear_ibuf [dreg:s7], $0x5FFFF;
	_ =	strace $0x90000046  }
0xb2: {  	s29 =	simm.s32 $0x9;
	_ =	strace $0x80000048  }
0xb3: {  	_ =	swait.ge [sflag:s29], $0x1  }
0xb4: {  	[sflag:s29] =	ssyncadd.s32 $0xFFFFFFFF  }
0xb5: {  	_ =	strace $0x90000048  }
0xb6: {  	_ =	sfence  }
0xb7: {  	s30 =	sld [smem:$0x0];
	_ =	sdelay $0x2  }
0xb8: {  	s31 =	sshll.u32 s1, $0xD;
	s1 =	sshrl.u32 s1, $0x2  }
0xb9: {  	s3 =	sand.u32 $0x4000, s31;
	s1 =	sadd.s32 s1, s30  }
0xba: {  	s0 =	sor.u32 s3, s0;
	s1 =	sshll.u32 s1, $0x11  }
0xbb: {  	s0 =	sor.u32 s1, s0  }
0xbc: {  	s0 =	sadd.s32 $0x8F2B, s0  }
0xbd: {  	[sflag:s0] =	ssyncadd.remote.s32 $0x1  }
0xbe: {  	_ =	sfence.sel $0xFFFF  }
0xbf: {  	[dreg:$0x0] =	wrdreg $0xFFFFFFFF;
	(pc) =	sbr.abs _section_cstart, $3  }
0xc0: {  	[dreg:$0x1] =	wrdreg $0xFFFFFFFF  }
0xc1: {  	_ =	task.clear_ibuf [dreg:s7], $0x2FFFF;
	_ =	strace $0x9FFFFFFF  }
0xc2: {  	(tm) =	ssettm $0x7FFFFFFF  }
0xc3: {  	_ =	shalt  }
tec
execute0_lowered:
.L_overlay_start_1:
0x0: {  	(tag) =	ssettag $0x1  }
0x1: {  	s0 =	rddreg [dreg:$0x0];
	s3 =	srdreg.scid  }
0x2: {  	s2 =	rddreg [dreg:$0x1];
	s1 =	stileid.u32  }
0x3: {  	s7 =	simm.s32 $0x9;
	s8 =	simm.s32 $0x32;
	s9 =	simm.s32 $0x4000  }
0x4: {  	s10 =	simm.s32 $0x80;
	s11 =	simm.s32 $0x5C00;
	s12 =	simm.s32 $0x100  }
0x5: {  	s13 =	simm.s32 $0x7800;
	s14 =	simm.s32 $0x180;
	s15 =	simm.s32 $0x9400  }
0x6: {  	s16 =	simm.s32 $0x200;
	s17 =	simm.s32 $0xB000;
	s18 =	simm.s32 $0x280  }
0x7: {  	s19 =	simm.s32 $0xCC00;
	s20 =	simm.s32 $0x300;
	s21 =	simm.s32 $0xE800  }
0x8: {  	s22 =	simm.s32 $0x380;
	s23 =	simm.s32 $0x10400;
	s24 =	simm.s32 $0x12000  }
0x9: {  	s25 =	simm.s32 $0x0;
	s4 =	sand.u32 $0x1, s3;
	s5 =	sshll.u32 s1, $0xC  }
0xa: {  	s3 =	simm.s32 $0x0;
	s6 =	sshll.u32 s4, $0xB;
	s4 =	ssub.s32 $0x2, s4  }
0xb: {  	[smem:$0x7FF] =	sst s3;
	s5 =	sor.u32 s6, s5;
	s30 =	sshrl.u32 s4, $0x1  }
0xc: {  	_ =	strace $0x80000047;
	s0 =	sadd.s32 s5, s0;
	s31 =	ssub.s32 s4, s30  }
0xd: {  	s4 =	sadd.s32 $0x1200, s0;
	s5 =	sadd.s32 $0x11200, s0;
	s6 =	smax.u32 s31, $0x1  }
.LBB2_1:
0xe: {  	[tilespmem:s3], [sflag:$0x9] =	stream.linear.gather [hbm4b:s4+s3], $0x4000, $0x38;
	[tilespmem:$0x16000] =	vst v63  }
0xf: {  	_ =	swait.ge [sflag:s7], $0x4000  }
0x10: {  	[sflag:s7] =	ssyncset.done $0x0  }
0x11: {  	[sflag:s7] =	ssyncadd.s32 $0xFFFFC000  }
0x12: {  	[tilespmem:s9], [sflag:$0x1] =	stream.indirect.gather [hbm4b:s2+s8], $0x80, s3, s8, $0xb8;
	[tilespmem:$0x16000] =	vst v63  }
0x13: {  	_ = 	snop  }
0x14: {  	[tilespmem:s11], [sflag:$0x2] =	stream.indirect.gather [hbm4b:s2+s8], $0x80, s10, s8, $0xb8;
	[tilespmem:$0x16000] =	vst v63  }
0x15: {  	_ = 	snop  }
0x16: {  	[tilespmem:s13], [sflag:$0x3] =	stream.indirect.gather [hbm4b:s2+s8], $0x80, s12, s8, $0xb8;
	[tilespmem:$0x16000] =	vst v63  }
0x17: {  	_ = 	snop  }
0x18: {  	[tilespmem:s15], [sflag:$0x4] =	stream.indirect.gather [hbm4b:s2+s8], $0x80, s14, s8, $0xb8;
	[tilespmem:$0x16000] =	vst v63  }
0x19: {  	_ = 	snop  }
0x1a: {  	[tilespmem:s17], [sflag:$0x5] =	stream.indirect.gather [hbm4b:s2+s8], $0x80, s16, s8, $0xb8;
	[tilespmem:$0x16000] =	vst v63  }
0x1b: {  	_ = 	snop  }
0x1c: {  	[tilespmem:s19], [sflag:$0x6] =	stream.indirect.gather [hbm4b:s2+s8], $0x80, s18, s8, $0xb8;
	[tilespmem:$0x16000] =	vst v63  }
0x1d: {  	_ = 	snop  }
0x1e: {  	[tilespmem:s21], [sflag:$0x7] =	stream.indirect.gather [hbm4b:s2+s8], $0x80, s20, s8, $0xb8;
	[tilespmem:$0x16000] =	vst v63  }
0x1f: {  	s26 =	simm.s32 $0x0;
	s28 =	simm.s32 $0x0  }
0x20: {  	[tilespmem:s23], [sflag:$0x8] =	stream.indirect.gather [hbm4b:s2+s8], $0x80, s22, s8, $0xb8;
	[tilespmem:$0x16000] =	vst v63  }
.LBB2_2:
0x21: {  	s0 =	sand.u32 $0x7, s26  }
0x22: {  	s0 =	smul.u32 $0x7000, s0;
	_ =	sdelay $0x1  }
0x23: {  	s0 =	sshrl.u32 s0, $0x2  }
0x24: {  	s0 =	sadd.s32 $0x4040, s0  }
0x25: {  	s30 =	sand.u32 $0x7, s28;
	v1 =	vmov s0  }
0x26: {  	s29 =	sadd.s32 $0x1, s30  }
0x27: {  	_ =	swait.ge [sflag:s29], $0x1900  }
0x28: {  	[sflag:s29] =	ssyncset.done $0x0  }
0x29: {  	s1 =	simm.s32 $0x0;
	[sflag:s29] =	ssyncadd.s32 $0xFFFFE700  }
0x2a: {  	v0 =	vld.idx.msk [tilespmem:v1+s1+$0x30 ss:$0x1], $0xffff  }
0x2b: {  	v5 =	vld.idx.msk [tilespmem:v1+s1+$0xFFFFFFC0 ss:$0x1], $0xffff  }
0x2c: {  	v10 =	vld.idx.msk [tilespmem:v1+s1+$0xFFFFFFD0 ss:$0x1], $0xffff  }
0x2d: {  	v7 =	vld.idx.msk [tilespmem:v1+s1+$0xFFFFFFE0 ss:$0x1], $0xffff  }
0x2e: {  	s0 =	smul.u32 $0x7000, s30;
	v4 =	vld.idx.msk [tilespmem:v1+s1+$0xFFFFFFF0 ss:$0x1], $0xffff  }
0x2f: {  	v6 =	vimm.f32 $0.0e+00;
	v14 =	vimm.f32 $0.0e+00;
	v2 =	vld.idx.msk [tilespmem:v1+s1+$0x0 ss:$0x1], $0xffff  }
0x30: {  	v8 =	vimm.f32 $0.0e+00;
	v12 =	vimm.f32 $0.0e+00;
	v9 =	vimm.f32 $0.0e+00;
	s0 =	sshrl.u32 s0, $0x2;
	v3 =	vld.idx.msk [tilespmem:v1+s1+$0x10 ss:$0x1], $0xffff  }
0x31: {  	s31 =	simm.s32 $0x80;
	s30 =	sadd.s32 $0x4000, s0;
	s0 =	simm.s32 $0x400;
	v11 =	vld.idx.msk [tilespmem:v1+s1+$0x20 ss:$0x1], $0xffff;
	v0 =	vadd.f32 v0, v6;
	v13 =	vadd.f32 v5, v6;
	v5 =	vimm.f32 $0.0e+00  }
.LBB2_3:
0x32: {  	p0 =	sne.s32 s0, $0x6200;
	v15 =	vld.idx.msk [tilespmem:v1+s31+$0x30 ss:$0x1], $0xffff;
	v6 =	vadd.f32 v10, v6  }
0x33: {  	v14 =	vadd.f32 v7, v14;
	v16 =	vld.idx.msk [tilespmem:v1+s31+$0xFFFFFFC0 ss:$0x1], $0xffff  }
0x34: {  	v8 =	vadd.f32 v4, v8;
	v10 =	vld.idx.msk [tilespmem:v1+s31+$0xFFFFFFD0 ss:$0x1], $0xffff  }
.Ltmp0:
0x35: {  	v12 =	vadd.f32 v2, v12;
	v7 =	vld.idx.msk [tilespmem:v1+s31+$0xFFFFFFE0 ss:$0x1], $0xffff;
	(pc) =	sbr.rel @p0 .LBB2_3-.Ltmp0, $4  }
0x36: {  	v9 =	vadd.f32 v3, v9;
	v4 =	vld.idx.msk [tilespmem:v1+s31+$0xFFFFFFF0 ss:$0x1], $0xffff  }
0x37: {  	v5 =	vadd.f32 v11, v5;
	v2 =	vld.idx.msk [tilespmem:v1+s31+$0x0 ss:$0x1], $0xffff  }
0x38: {  	v0 =	vadd.f32 v15, v0;
	v3 =	vld.idx.msk [tilespmem:v1+s31+$0x10 ss:$0x1], $0xffff  }
0x39: {  	v13 =	vadd.f32 v16, v13;
	v11 =	vld.idx.msk [tilespmem:v1+s31+$0x20 ss:$0x1], $0xffff;
	s31 =	sshra.s32 s0, $0x2;
	s0 =	sadd.s32 $0x200, s0  }
0x3a: {  	_ =	sdelay $0x3  }
0x3b: {  	v16 =	vld.idx.msk [tilespmem:v1+s31+$0xFFFFFFC0 ss:$0x1], $0xffff  }
0x3c: {  	v17 =	vld.idx.msk [tilespmem:v1+s31+$0xFFFFFFD0 ss:$0x1], $0xffff  }
0x3d: {  	v18 =	vld.idx.msk [tilespmem:v1+s31+$0xFFFFFFE0 ss:$0x1], $0xffff  }
0x3e: {  	v19 =	vld.idx.msk [tilespmem:v1+s31+$0xFFFFFFF0 ss:$0x1], $0xffff  }
0x3f: {  	v6 =	vadd.f32 v10, v6;
	v61 =	vld.idx.msk [tilespmem:v1+s31+$0x0 ss:$0x1], $0xffff  }
0x40: {  	v7 =	vadd.f32 v7, v14;
	v62 =	vld.idx.msk [tilespmem:v1+s31+$0x10 ss:$0x1], $0xffff;
	s0 =	sshll.u32 s28, $0x7;
	v13 =	vadd.f32 v16, v13  }
0x41: {  	v15 =	vld.idx.msk [tilespmem:v1+s31+$0x30 ss:$0x1], $0xffff;
	v4 =	vadd.f32 v4, v8;
	s0 =	sand.u32 $0x3FFFFF80, s0;
	v6 =	vadd.f32 v17, v6  }
0x42: {  	v63 =	vld.idx.msk [tilespmem:v1+s31+$0x20 ss:$0x1], $0xffff;
	v2 =	vadd.f32 v2, v12;
	v7 =	vadd.f32 v18, v7;
	[tilespmem:s0+$0x12000] =	vst v13  }
0x43: {  	v3 =	vadd.f32 v3, v9;
	v4 =	vadd.f32 v19, v4;
	[tilespmem:s0+$0x12010] =	vst v6  }
0x44: {  	s28 =	sadd.s32 $0x1, s28;
	v2 =	vadd.f32 v61, v2;
	[tilespmem:s0+$0x12020] =	vst v7  }
0x45: {  	p0 =	sne.s32 s28, $0x78;
	v5 =	vadd.f32 v11, v5;
	v3 =	vadd.f32 v62, v3;
	[tilespmem:s0+$0x12030] =	vst v4  }
.Ltmp1:
0x46: {  	v0 =	vadd.f32 v15, v0;
	[tilespmem:s0+$0x12040] =	vst v2;
	(pc) =	sbr.rel @p0 .LBB2_2-.Ltmp1, $4  }
0x47: {  	v1 =	vadd.f32 v63, v5;
	[tilespmem:s0+$0x12050] =	vst v3  }
0x48: {  	[tilespmem:s0+$0x12070] =	vst v0  }
0x49: {  	s26 =	sadd.s32 $0x1, s26;
	[tilespmem:s0+$0x12060] =	vst v1;
	s0 =	sadd.s32 $0x400, s0  }
0x4a: {  	[tilespmem:s30], [sflag:s29] =	stream.indirect.gather [hbm4b:s2+s8], $0x80, s0, s8, $0xb8;
	[tilespmem:$0x16000] =	vst v63  }
0x4b: {  	s29 =	simm.s32 $0x0;
	s26 =	simm.s32 $0x4040  }
.LBB2_6:
0x4c: {  	v1 =	vmov s26  }
0x4d: {  	s28 =	sadd.s32 $0x1, s29  }
0x4e: {  	_ =	swait.ge [sflag:s28], $0x1900  }
0x4f: {  	[sflag:s28] =	ssyncset.done $0x0  }
0x50: {  	s1 =	simm.s32 $0x0;
	[sflag:s28] =	ssyncadd.s32 $0xFFFFE700  }
0x51: {  	v0 =	vld.idx.msk [tilespmem:v1+s1+$0x30 ss:$0x1], $0xffff  }
0x52: {  	v4 =	vld.idx.msk [tilespmem:v1+s1+$0xFFFFFFC0 ss:$0x1], $0xffff  }
0x53: {  	v13 =	vld.idx.msk [tilespmem:v1+s1+$0xFFFFFFD0 ss:$0x1], $0xffff  }
0x54: {  	v11 =	vld.idx.msk [tilespmem:v1+s1+$0xFFFFFFE0 ss:$0x1], $0xffff  }
0x55: {  	v7 =	vld.idx.msk [tilespmem:v1+s1+$0xFFFFFFF0 ss:$0x1], $0xffff  }
0x56: {  	v6 =	vimm.f32 $0.0e+00;
	v14 =	vimm.f32 $0.0e+00;
	v3 =	vld.idx.msk [tilespmem:v1+s1+$0x0 ss:$0x1], $0xffff  }
0x57: {  	v9 =	vimm.f32 $0.0e+00;
	v10 =	vimm.f32 $0.0e+00;
	v5 =	vimm.f32 $0.0e+00;
	v2 =	vld.idx.msk [tilespmem:v1+s1+$0x10 ss:$0x1], $0xffff  }
0x58: {  	s30 =	simm.s32 $0x80;
	s0 =	simm.s32 $0x400;
	v8 =	vld.idx.msk [tilespmem:v1+s1+$0x20 ss:$0x1], $0xffff;
	v0 =	vadd.f32 v0, v6;
	v12 =	vadd.f32 v4, v6;
	v4 =	vimm.f32 $0.0e+00  }
.LBB2_7:
0x59: {  	p0 =	sne.s32 s0, $0x6200;
	v15 =	vld.idx.msk [tilespmem:v1+s30+$0x30 ss:$0x1], $0xffff;
	v6 =	vadd.f32 v13, v6  }
0x5a: {  	v14 =	vadd.f32 v11, v14;
	v16 =	vld.idx.msk [tilespmem:v1+s30+$0xFFFFFFC0 ss:$0x1], $0xffff  }
0x5b: {  	v9 =	vadd.f32 v7, v9;
	v13 =	vld.idx.msk [tilespmem:v1+s30+$0xFFFFFFD0 ss:$0x1], $0xffff  }
.Ltmp2:
0x5c: {  	v10 =	vadd.f32 v3, v10;
	v11 =	vld.idx.msk [tilespmem:v1+s30+$0xFFFFFFE0 ss:$0x1], $0xffff;
	(pc) =	sbr.rel @p0 .LBB2_7-.Ltmp2, $4  }
0x5d: {  	v5 =	vadd.f32 v2, v5;
	v7 =	vld.idx.msk [tilespmem:v1+s30+$0xFFFFFFF0 ss:$0x1], $0xffff  }
0x5e: {  	v4 =	vadd.f32 v8, v4;
	v3 =	vld.idx.msk [tilespmem:v1+s30+$0x0 ss:$0x1], $0xffff  }
0x5f: {  	v0 =	vadd.f32 v15, v0;
	v2 =	vld.idx.msk [tilespmem:v1+s30+$0x10 ss:$0x1], $0xffff  }
0x60: {  	v12 =	vadd.f32 v16, v12;
	v8 =	vld.idx.msk [tilespmem:v1+s30+$0x20 ss:$0x1], $0xffff;
	s30 =	sshra.s32 s0, $0x2;
	s0 =	sadd.s32 $0x200, s0  }
0x61: {  	_ =	sdelay $0x3  }
0x62: {  	v16 =	vld.idx.msk [tilespmem:v1+s30+$0xFFFFFFC0 ss:$0x1], $0xffff  }
0x63: {  	v17 =	vld.idx.msk [tilespmem:v1+s30+$0xFFFFFFD0 ss:$0x1], $0xffff  }
0x64: {  	v18 =	vld.idx.msk [tilespmem:v1+s30+$0xFFFFFFE0 ss:$0x1], $0xffff  }
0x65: {  	v19 =	vld.idx.msk [tilespmem:v1+s30+$0xFFFFFFF0 ss:$0x1], $0xffff  }
0x66: {  	v6 =	vadd.f32 v13, v6;
	v59 =	vld.idx.msk [tilespmem:v1+s30+$0x0 ss:$0x1], $0xffff  }
0x67: {  	v11 =	vadd.f32 v11, v14;
	v60 =	vld.idx.msk [tilespmem:v1+s30+$0x10 ss:$0x1], $0xffff;
	s0 =	sshll.u32 s29, $0x7;
	v12 =	vadd.f32 v16, v12  }
0x68: {  	v15 =	vld.idx.msk [tilespmem:v1+s30+$0x30 ss:$0x1], $0xffff;
	v7 =	vadd.f32 v7, v9;
	s0 =	sand.u32 $0x3FFFFF80, s0;
	v6 =	vadd.f32 v17, v6  }
0x69: {  	v61 =	vld.idx.msk [tilespmem:v1+s30+$0x20 ss:$0x1], $0xffff;
	v3 =	vadd.f32 v3, v10;
	v62 =	vadd.f32 v18, v11;
	[tilespmem:s0+$0x15C00] =	vst v12  }
0x6a: {  	v2 =	vadd.f32 v2, v5;
	v63 =	vadd.f32 v19, v7;
	[tilespmem:s0+$0x15C10] =	vst v6  }
0x6b: {  	p0 =	sne.s32 s28, $0x8;
	v3 =	vadd.f32 v59, v3;
	[tilespmem:s0+$0x15C20] =	vst v62  }
.Ltmp3:
0x6c: {  	v4 =	vadd.f32 v8, v4;
	v2 =	vadd.f32 v60, v2;
	[tilespmem:s0+$0x15C30] =	vst v63;
	(pc) =	sbr.rel @p0 .LBB2_6-.Ltmp3, $4  }
0x6d: {  	v0 =	vadd.f32 v15, v0;
	[tilespmem:s0+$0x15C40] =	vst v3  }
0x6e: {  	v1 =	vadd.f32 v61, v4;
	[tilespmem:s0+$0x15C50] =	vst v2  }
0x6f: {  	[tilespmem:s0+$0x15C70] =	vst v0  }
0x70: {  	s26 =	sadd.s32 $0x1C00, s26;
	s29 =	smov.u32 s28;
	[tilespmem:s0+$0x15C60] =	vst v1  }
0x71: {  	s25 =	sadd.s32 $0x1, s25  }
0x72: {  	p0 =	sne.s32 s25, s6  }
.Ltmp4:
0x73: {  	_ = 	snop;
	(pc) =	sbr.rel @p0 .LBB2_1-.Ltmp4, $4  }
0x74: {  	[hbm4b:s5+s3] =	stream.linear.scatter [tilespmem:s24], [sflag:$0x9], $0x4000, $0x38;
	[tilespmem:$0x16000] =	vst v63  }
0x75: {  	_ =	swait.ge [sflag:s7], $0x4000  }
0x76: {  	[sflag:s7] =	ssyncset.done $0x0  }
0x77: {  	[sflag:s7] =	ssyncadd.s32 $0xFFFFC000  }
0x78: {  	_ =	sfence.sel $0x180000  }
0x79: {  	[bflag:$0x0] =	sbarrier.arrive $0xFFFF  }
0x7a: {  	_ =	strace $0x90000047  }
0x7b: {  	s0 =	stileid.u32;
	[bflag:$0x2] =	sbarrier.arrive $0xFFFF  }
0x7c: {  	p0 =	sne.s32 s0, $0x0;
	s0 =	rddreg [dreg:$0x2]  }
0x7d: {  	s0 =	sadd.s32 @!p0 $0x100000, s0  }
0x7e: {  	[sflag:s0] =	ssyncadd.tile.s32 @!p0 $0x1;
	_ =	shalt  }
.Lfunc_end2:
_tile_overlayer_lowered:
.L_overlay_start_2:
0x7f: {  	(tag) =	ssettag $0x2  }
0x80: {  	s0 =	rddreg [dreg:$0x0];
	s2 =	stileid.u32  }
0x81: {  	s1 =	rddreg [dreg:$0x1];
	p0 =	sne.s32 s2, $0x0  }
0x82: {  	s3 =	rddreg [dreg:$0x2];
	[bflag:$0x3] =	sbarrier.arrive $0xFFFF;
	s2 =	simm.s32 @!p0 $0x1C09  }
0x83: {  	[timem:s3], [sflag:s2] =	dma.local @!p0 [hbm:s0], s1  }
0x84: {  	s0 =	simm.s32 @!p0 $0x9  }
0x85: {  	_ =	swait.ge @!p0 [sflag:s0], s1  }
0x86: {  	s1 =	ssub.s32 @!p0 $0x0, s1;
	[sflag:s0] =	ssyncset.done @!p0 $0x0  }
0x87: {  	[sflag:s0] =	ssyncadd.s32 @!p0 s1  }
0x88: {  	[bflag:$0x3] =	sbarrier.arrive $0xFFFF  }
0x89: {  	_ =	shalt  }

</sc_bundles>
